<compile_context>
chip_gen: v7x
topology: tpu7x:2x2x1
jax: 0.10.2.dev20260603
libtpu: 0.0.44.dev20260713+nightly
codegen_flags: <defaults>
</compile_context>

<pallas_src>
import functools

import jax
import jax.numpy as jnp
from jax.experimental import pallas as pl
from jax.experimental.pallas import tpu as pltpu

_K = 20
_ALPHA = 3.0
_R = 128
_W = 256


def _topk_sort_write(a, iota, k, vals_ref, cols_ref):
    big = jnp.int32(2 ** 30)
    vals_l, cols_l = [], []
    m_prev = None
    am_prev = None
    for t in range(k):
        if t == 0:
            av = a
        else:
            after = (a < m_prev) | ((a == m_prev) & (iota > am_prev))
            av = jnp.where(after, a, jnp.float32(-1.0))
        m = jnp.max(av, axis=0, keepdims=True)
        am = jnp.min(jnp.where(av == m, iota, big), axis=0, keepdims=True)
        vals_l.append(m)
        cols_l.append(am)
        m_prev, am_prev = m, am
    vals = jnp.concatenate(vals_l, axis=0)
    cols = jnp.concatenate(cols_l, axis=0)
    lt = (cols[:, None, :] < cols[None, :, :])
    rank = jnp.sum(lt.astype(jnp.int32), axis=0)
    slot = jax.lax.broadcasted_iota(jnp.int32, (k, k, 1), 0)
    eq = rank[None, :, :] == slot
    vals_ref[...] = jnp.sum(jnp.where(eq, vals[None, :, :], 0.0), axis=1)
    cols_ref[...] = jnp.sum(jnp.where(eq, cols[None, :, :], 0), axis=1)


def _block_kernel(e1_ref, e2_ref, w1_ref, b1_ref, vals_ref, cols_ref,
                  v1s, v2s, *, n, k, r, w, alpha):
    i = pl.program_id(0)
    dn = (((1,), (1,)), ((), ()))

    @pl.when(i == 0)
    def _():
        w1 = w1_ref[...]
        b = b1_ref[...]
        v1s[...] = jnp.tanh(alpha * (
            jax.lax.dot_general(e1_ref[...], w1, dn,
                                preferred_element_type=jnp.float32) + b))
        v2s[...] = jnp.tanh(alpha * (
            jax.lax.dot_general(e2_ref[...], w1, dn,
                                preferred_element_type=jnp.float32) + b))

    vr1 = v1s[pl.ds(i * r, r), :]
    vr2 = v2s[pl.ds(i * r, r), :]

    def scores(width):
        v1c = v1s[pl.ds(0, width), :]
        v2c = v2s[pl.ds(0, width), :]
        s = (jax.lax.dot_general(v2c, vr1, dn, preferred_element_type=jnp.float32)
             - jax.lax.dot_general(v1c, vr2, dn, preferred_element_type=jnp.float32))
        return jax.nn.relu(jnp.tanh(alpha * s))

    aw = scores(w)
    nsat = jnp.sum((aw >= 1.0).astype(jnp.int32), axis=0)
    ok = jnp.min(nsat) >= k

    @pl.when(ok)
    def _():
        iota_w = jax.lax.broadcasted_iota(jnp.int32, (w, r), 0)
        _topk_sort_write(aw, iota_w, k, vals_ref, cols_ref)

    @pl.when(jnp.logical_not(ok))
    def _():
        af = scores(n)
        iota_f = jax.lax.broadcasted_iota(jnp.int32, (n, r), 0)
        _topk_sort_write(af, iota_f, k, vals_ref, cols_ref)


def _build(n, d, k, r, w, alpha, np_rows, interpret=False):
    nblocks = np_rows // r
    kern = functools.partial(_block_kernel, n=n, k=k, r=r, w=w, alpha=alpha)
    return pl.pallas_call(
        kern,
        grid=(nblocks,),
        in_specs=[
            pl.BlockSpec((np_rows, d), lambda i: (0, 0)),
            pl.BlockSpec((np_rows, d), lambda i: (0, 0)),
            pl.BlockSpec((d, d), lambda i: (0, 0)),
            pl.BlockSpec((1, d), lambda i: (0, 0)),
        ],
        out_specs=[
            pl.BlockSpec((k, r), lambda i: (0, i)),
            pl.BlockSpec((k, r), lambda i: (0, i)),
        ],
        out_shape=[
            jax.ShapeDtypeStruct((k, np_rows), jnp.float32),
            jax.ShapeDtypeStruct((k, np_rows), jnp.int32),
        ],
        scratch_shapes=[
            pltpu.VMEM((np_rows, d), jnp.float32),
            pltpu.VMEM((np_rows, d), jnp.float32),
        ],
        interpret=interpret,
    )


def _run(idx, emb1_w, emb2_w, W1, b1, *, k, r, w, alpha, interpret=False):
    e1 = jnp.take(emb1_w, idx, axis=0)
    e2 = jnp.take(emb2_w, idx, axis=0)
    n, d = e1.shape
    np_rows = ((n + r - 1) // r) * r
    pad = np_rows - n
    if pad:
        e1p = jnp.concatenate([e1, jnp.broadcast_to(e1[:1], (pad, d))], axis=0)
        e2p = jnp.concatenate([e2, jnp.broadcast_to(e2[:1], (pad, d))], axis=0)
    else:
        e1p, e2p = e1, e2
    call = _build(n, d, k, r, w, alpha, np_rows, interpret=interpret)
    vals_o, cols_o = call(e1p, e2p, W1, b1.reshape(1, d))
    vals = vals_o[:, :n].T.reshape(-1)
    cols = cols_o[:, :n].T.reshape(-1)
    rows = jnp.repeat(jnp.arange(n, dtype=cols.dtype), k)
    index = jnp.stack([rows, cols])
    return (index, vals)


def kernel(idx, emb1_w, emb2_w, W1, b1):
    return _run(idx, emb1_w, emb2_w, W1, b1,
                k=_K, r=_R, w=_W, alpha=_ALPHA)

# --- scband reference (transcript-rebuilt; emitter-appended) ---
"""Pipeline reference for scband-graph-constructor-5952824672352 (READ-ONLY COPY).

The authoritative reference and input builder live on the scoring server;
editing this copy changes nothing except your own understanding.
"""

import jax, jax.numpy as jnp
import numpy as np

NUM_NODES = 10000
DIM = 32
K = 20
ALPHA = 3.0


def setup_inputs(seed: int = 0) -> dict:
    key = jax.random.key(seed)
    k1, k2, k3, k4 = jax.random.split(key, 4)
    idx = jnp.arange(NUM_NODES, dtype=jnp.int32)
    emb1_w = jax.random.normal(k1, (NUM_NODES, DIM), dtype=jnp.float32)
    emb2_w = jax.random.normal(k2, (NUM_NODES, DIM), dtype=jnp.float32)
    lim = 1.0 / np.sqrt(DIM)
    W1 = jax.random.uniform(k3, (DIM, DIM), minval=-lim, maxval=lim, dtype=jnp.float32)
    b1 = jax.random.uniform(k4, (DIM,), minval=-lim, maxval=lim, dtype=jnp.float32)
    return {"idx": idx, "emb1_w": emb1_w, "emb2_w": emb2_w, "W1": W1, "b1": b1}


def reference(idx, emb1_w, emb2_w, W1, b1):
    # node_vec1 = emb1(idx); node_vec2 = emb2(idx)
    node_vec1 = jnp.take(emb1_w, idx, axis=0)
    node_vec2 = jnp.take(emb2_w, idx, axis=0)
    # NOTE: original torch code applies lin1 to BOTH vectors (lin2 is unused) -- kept faithful.
    node_vec1 = jnp.tanh(ALPHA * (node_vec1 @ W1.T + b1))
    node_vec2 = jnp.tanh(ALPHA * (node_vec2 @ W1.T + b1))
    a = node_vec1 @ node_vec2.T - node_vec2 @ node_vec1.T
    adj = jax.nn.relu(jnp.tanh(ALPHA * a))
    # top-k per row, build 0/1 mask via scatter-overwrite
    top_vals, top_idx = jax.lax.top_k(adj, K)
    rows = jnp.arange(adj.shape[0])[:, None]
    mask = jnp.zeros_like(adj).at[rows, top_idx].set(1.0)
    adj = adj * mask
    # COO extraction: torch.nonzero(adj).T
    nz_r, nz_c = jnp.nonzero(adj, size=adj.shape[0] * top_idx.shape[1])
    index = jnp.stack([nz_r, nz_c])
    data = adj[nz_r, nz_c]
    return (index, data)

if __name__ == "__main__":
    import jax
    _d = setup_inputs()
    print(jax.jit(kernel)(*tuple(_d.values())))

</pallas_src>

<mosaic_0001>
module attributes {stable_mosaic.version = 14 : i64} {
  func.func @_block_kernel(%arg0: i32, %arg1: memref<10112x32xf32, #tpu.memory_space<vmem>>, %arg2: memref<10112x32xf32, #tpu.memory_space<vmem>>, %arg3: memref<32x32xf32, #tpu.memory_space<vmem>>, %arg4: memref<1x32xf32, #tpu.memory_space<vmem>>, %arg5: memref<20x128xf32, #tpu.memory_space<vmem>>, %arg6: memref<20x128xi32, #tpu.memory_space<vmem>>, %arg7: memref<10112x32xf32, #tpu.memory_space<vmem>>, %arg8: memref<10112x32xf32, #tpu.memory_space<vmem>>) attributes {dimension_semantics = [#tpu.dimension_semantics<arbitrary>], iteration_bounds = array<i64: 79>, scalar_prefetch = 0 : i64, scratch_operands = 2 : i64, tpu.core_type = #tpu.core_type<tc>, window_params = [{pipeline_mode = #tpu.pipeline_mode<synchronous>, transform_indices = @transform_0, window_bounds = array<i64: 10112, 32>}, {pipeline_mode = #tpu.pipeline_mode<synchronous>, transform_indices = @transform_1, window_bounds = array<i64: 10112, 32>}, {pipeline_mode = #tpu.pipeline_mode<synchronous>, transform_indices = @transform_2, window_bounds = array<i64: 32, 32>}, {pipeline_mode = #tpu.pipeline_mode<synchronous>, transform_indices = @transform_3, window_bounds = array<i64: 1, 32>}, {transform_indices = @transform_4, window_bounds = array<i64: 20, 128>}, {transform_indices = @transform_5, window_bounds = array<i64: 20, 128>}]} {
    %eq3A = arith.constant 0 : i32
    %eq3A_0 = arith.cmpi eq, %arg0, %eq3A : i32
    %convert_element_type3A = arith.extui %eq3A_0 : i1 to i32
    %cond3A = arith.constant 0 : i32
    %cond3A_1 = arith.cmpi ne, %convert_element_type3A, %cond3A : i32
    scf.if %cond3A_1 {
      %get3A_41 = arith.constant 0 : index
      %get3A_42 = arith.constant 0 : index
      %get3A_43 = vector.load %arg3[%get3A_41, %get3A_42] : memref<32x32xf32, #tpu.memory_space<vmem>>, vector<32x32xf32>
      %get3A_44 = arith.constant 0 : index
      %get3A_45 = arith.constant 0 : index
      %get3A_46 = vector.load %arg4[%get3A_44, %get3A_45] : memref<1x32xf32, #tpu.memory_space<vmem>>, vector<1x32xf32>
      %get3A_47 = arith.constant 0 : index
      %get3A_48 = arith.constant 0 : index
      %get3A_49 = vector.load %arg1[%get3A_47, %get3A_48] : memref<10112x32xf32, #tpu.memory_space<vmem>>, vector<10112x32xf32>
      %dot_general3A_50 = arith.constant dense<0.000000e+00> : vector<10112x32xf32>
      %dot_general3A_51 = tpu.matmul %get3A_49, %get3A_43, %dot_general3A_50 {dimension_numbers = #tpu.dot_dimension_numbers<[1], [1], [0], [0], [0, 0, 1, 0], [], []>, transpose_lhs_hint = false} : vector<10112x32xf32>, vector<32x32xf32>, vector<10112x32xf32> -> vector<10112x32xf32>
      %add3A = vector.broadcast %get3A_46 : vector<1x32xf32> to vector<10112x32xf32>
      %add3A_52 = arith.addf %dot_general3A_51, %add3A : vector<10112x32xf32>
      %mul3A_53 = arith.constant 3.000000e+00 : f32
      %mul3A_54 = vector.broadcast %mul3A_53 : f32 to vector<10112x32xf32>
      %mul3A_55 = arith.mulf %mul3A_54, %add3A_52 : vector<10112x32xf32>
      %tanh3A_56 = math.tanh %mul3A_55 : vector<10112x32xf32>
      %swap3A = arith.constant 0 : index
      %swap3A_57 = arith.constant 0 : index
      %swap3A_58 = vector.load %arg7[%swap3A, %swap3A_57] : memref<10112x32xf32, #tpu.memory_space<vmem>>, vector<10112x32xf32>
      tpu.vector_store %arg7[%swap3A, %swap3A_57], %tanh3A_56 {strides = array<i32>} : memref<10112x32xf32, #tpu.memory_space<vmem>>, vector<10112x32xf32>,
      %get3A_59 = arith.constant 0 : index
      %get3A_60 = arith.constant 0 : index
      %get3A_61 = vector.load %arg2[%get3A_59, %get3A_60] : memref<10112x32xf32, #tpu.memory_space<vmem>>, vector<10112x32xf32>
      %dot_general3A_62 = arith.constant dense<0.000000e+00> : vector<10112x32xf32>
      %dot_general3A_63 = tpu.matmul %get3A_61, %get3A_43, %dot_general3A_62 {dimension_numbers = #tpu.dot_dimension_numbers<[1], [1], [0], [0], [0, 0, 1, 0], [], []>, transpose_lhs_hint = false} : vector<10112x32xf32>, vector<32x32xf32>, vector<10112x32xf32> -> vector<10112x32xf32>
      %add3A_64 = vector.broadcast %get3A_46 : vector<1x32xf32> to vector<10112x32xf32>
      %add3A_65 = arith.addf %dot_general3A_63, %add3A_64 : vector<10112x32xf32>
      %mul3A_66 = arith.constant 3.000000e+00 : f32
      %mul3A_67 = vector.broadcast %mul3A_66 : f32 to vector<10112x32xf32>
      %mul3A_68 = arith.mulf %mul3A_67, %add3A_65 : vector<10112x32xf32>
      %tanh3A_69 = math.tanh %mul3A_68 : vector<10112x32xf32>
      %swap3A_70 = arith.constant 0 : index
      %swap3A_71 = arith.constant 0 : index
      %swap3A_72 = vector.load %arg8[%swap3A_70, %swap3A_71] : memref<10112x32xf32, #tpu.memory_space<vmem>>, vector<10112x32xf32>
      tpu.vector_store %arg8[%swap3A_70, %swap3A_71], %tanh3A_69 {strides = array<i32>} : memref<10112x32xf32, #tpu.memory_space<vmem>>, vector<10112x32xf32>,
    } else {
    }
    %mul3A = arith.constant 128 : i32
    %mul3A_2 = arith.muli %arg0, %mul3A : i32
    %get3A = arith.index_cast %mul3A_2 : i32 to index
    %get3A_3 = arith.constant 0 : index
    %get3A_4 = vector.load %arg7[%get3A, %get3A_3] : memref<10112x32xf32, #tpu.memory_space<vmem>>, vector<128x32xf32>
    %mul3A_5 = arith.constant 128 : i32
    %mul3A_6 = arith.muli %arg0, %mul3A_5 : i32
    %get3A_7 = arith.index_cast %mul3A_6 : i32 to index
    %get3A_8 = arith.constant 0 : index
    %get3A_9 = vector.load %arg8[%get3A_7, %get3A_8] : memref<10112x32xf32, #tpu.memory_space<vmem>>, vector<128x32xf32>
    %get3A_10 = arith.constant 0 : index
    %get3A_11 = arith.constant 0 : index
    %get3A_12 = vector.load %arg7[%get3A_10, %get3A_11] : memref<10112x32xf32, #tpu.memory_space<vmem>>, vector<256x32xf32>
    %get3A_13 = arith.constant 0 : index
    %get3A_14 = arith.constant 0 : index
    %get3A_15 = vector.load %arg8[%get3A_13, %get3A_14] : memref<10112x32xf32, #tpu.memory_space<vmem>>, vector<256x32xf32>
    %dot_general3A = arith.constant dense<0.000000e+00> : vector<256x128xf32>
    %dot_general3A_16 = tpu.matmul %get3A_15, %get3A_4, %dot_general3A {dimension_numbers = #tpu.dot_dimension_numbers<[1], [1], [0], [0], [0, 0, 1, 0], [], []>, transpose_lhs_hint = false} : vector<256x32xf32>, vector<128x32xf32>, vector<256x128xf32> -> vector<256x128xf32>
    %dot_general3A_17 = arith.constant dense<0.000000e+00> : vector<256x128xf32>
    %dot_general3A_18 = tpu.matmul %get3A_12, %get3A_9, %dot_general3A_17 {dimension_numbers = #tpu.dot_dimension_numbers<[1], [1], [0], [0], [0, 0, 1, 0], [], []>, transpose_lhs_hint = false} : vector<256x32xf32>, vector<128x32xf32>, vector<256x128xf32> -> vector<256x128xf32>
    %sub3A = arith.subf %dot_general3A_16, %dot_general3A_18 : vector<256x128xf32>
    %mul3A_19 = arith.constant 3.000000e+00 : f32
    %mul3A_20 = vector.broadcast %mul3A_19 : f32 to vector<256x128xf32>
    %mul3A_21 = arith.mulf %mul3A_20, %sub3A : vector<256x128xf32>
    %tanh3A = math.tanh %mul3A_21 : vector<256x128xf32>
    %max3A = arith.constant 0.000000e+00 : f32
    %max3A_22 = vector.broadcast %max3A : f32 to vector<256x128xf32>
    %max3A_23 = arith.maximumf %tanh3A, %max3A_22 : vector<256x128xf32>
    %ge3A = arith.constant 1.000000e+00 : f32
    %ge3A_24 = vector.broadcast %ge3A : f32 to vector<256x128xf32>
    %ge3A_25 = arith.cmpf oge, %max3A_23, %ge3A_24 : vector<256x128xf32>
    %convert_element_type3A_26 = arith.extui %ge3A_25 : vector<256x128xi1> to vector<256x128xi32>
    %reduce_sum3A = arith.constant dense<0> : vector<128xi32>
    %reduce_sum3A_27 = vector.multi_reduction <add>, %convert_element_type3A_26, %reduce_sum3A [0] : vector<256x128xi32> to vector<128xi32>
    %reduce_min3A = vector.shape_cast %reduce_sum3A_27 : vector<128xi32> to vector<1x128xi32>
    %reduce_min3A_28 = arith.constant dense<2147483647> : vector<1xi32>
    %reduce_min3A_29 = vector.multi_reduction <minsi>, %reduce_min3A, %reduce_min3A_28 [1] : vector<1x128xi32> to vector<1xi32>
    %reduce_min3A_30 = vector.shape_cast %reduce_min3A_29 : vector<1xi32> to vector<1x1xi32>
    %reduce_min3A_31 = vector.extract %reduce_min3A_30[0, 0] : i32 from vector<1x1xi32>
    %ge3A_32 = arith.constant 20 : i32
    %ge3A_33 = arith.cmpi sge, %reduce_min3A_31, %ge3A_32 : i32
    %convert_element_type3A_34 = arith.extui %ge3A_33 : i1 to i32
    %cond3A_35 = arith.constant 0 : i32
    %cond3A_36 = arith.cmpi ne, %convert_element_type3A_34, %cond3A_35 : i32
    scf.if %cond3A_36 {
      %iota3A = tpu.iota {dimensions = array<i32: 0>} : vector<256x128xi32>
      %reduce_max3A = arith.constant dense<0xFF800000> : vector<128xf32>
      %reduce_max3A_41 = vector.multi_reduction <maximumf>, %max3A_23, %reduce_max3A [0] : vector<256x128xf32> to vector<128xf32>
      %broadcast_in_dim3A = vector.shape_cast %reduce_max3A_41 : vector<128xf32> to vector<1x128xf32>
      %eq3A_42 = vector.broadcast %broadcast_in_dim3A : vector<1x128xf32> to vector<256x128xf32>
      %eq3A_43 = arith.cmpf oeq, %max3A_23, %eq3A_42 : vector<256x128xf32>
      %jit3A = arith.constant 1073741824 : i32
      %broadcast_in_dim3A_44 = vector.broadcast %jit3A : i32 to vector<256x128xi32>
      %select_n3A = arith.select %eq3A_43, %iota3A, %broadcast_in_dim3A_44 : vector<256x128xi1>, vector<256x128xi32>
      %reduce_min3A_45 = arith.constant dense<2147483647> : vector<128xi32>
      %reduce_min3A_46 = vector.multi_reduction <minsi>, %select_n3A, %reduce_min3A_45 [0] : vector<256x128xi32> to vector<128xi32>
      %broadcast_in_dim3A_47 = vector.shape_cast %reduce_min3A_46 : vector<128xi32> to vector<1x128xi32>
      %lt3A = vector.broadcast %broadcast_in_dim3A : vector<1x128xf32> to vector<256x128xf32>
      %lt3A_48 = arith.cmpf olt, %max3A_23, %lt3A : vector<256x128xf32>
      %eq3A_49 = vector.broadcast %broadcast_in_dim3A : vector<1x128xf32> to vector<256x128xf32>
      %eq3A_50 = arith.cmpf oeq, %max3A_23, %eq3A_49 : vector<256x128xf32>
      %gt3A = vector.broadcast %broadcast_in_dim3A_47 : vector<1x128xi32> to vector<256x128xi32>
      %gt3A_51 = arith.cmpi sgt, %iota3A, %gt3A : vector<256x128xi32>
      %and3A = arith.andi %eq3A_50, %gt3A_51 : vector<256x128xi1>
      %or3A = arith.ori %lt3A_48, %and3A : vector<256x128xi1>
      %jit3A_52 = arith.constant -1.000000e+00 : f32
      %broadcast_in_dim3A_53 = vector.broadcast %jit3A_52 : f32 to vector<256x128xf32>
      %select_n3A_54 = arith.select %or3A, %max3A_23, %broadcast_in_dim3A_53 : vector<256x128xi1>, vector<256x128xf32>
      %reduce_max3A_55 = arith.constant dense<0xFF800000> : vector<128xf32>
      %reduce_max3A_56 = vector.multi_reduction <maximumf>, %select_n3A_54, %reduce_max3A_55 [0] : vector<256x128xf32> to vector<128xf32>
      %broadcast_in_dim3A_57 = vector.shape_cast %reduce_max3A_56 : vector<128xf32> to vector<1x128xf32>
      %eq3A_58 = vector.broadcast %broadcast_in_dim3A_57 : vector<1x128xf32> to vector<256x128xf32>
      %eq3A_59 = arith.cmpf oeq, %select_n3A_54, %eq3A_58 : vector<256x128xf32>
      %jit3A_60 = arith.constant 1073741824 : i32
      %broadcast_in_dim3A_61 = vector.broadcast %jit3A_60 : i32 to vector<256x128xi32>
      %select_n3A_62 = arith.select %eq3A_59, %iota3A, %broadcast_in_dim3A_61 : vector<256x128xi1>, vector<256x128xi32>
      %reduce_min3A_63 = arith.constant dense<2147483647> : vector<128xi32>
      %reduce_min3A_64 = vector.multi_reduction <minsi>, %select_n3A_62, %reduce_min3A_63 [0] : vector<256x128xi32> to vector<128xi32>
      %broadcast_in_dim3A_65 = vector.shape_cast %reduce_min3A_64 : vector<128xi32> to vector<1x128xi32>
      %lt3A_66 = vector.broadcast %broadcast_in_dim3A_57 : vector<1x128xf32> to vector<256x128xf32>
      %lt3A_67 = arith.cmpf olt, %max3A_23, %lt3A_66 : vector<256x128xf32>
      %eq3A_68 = vector.broadcast %broadcast_in_dim3A_57 : vector<1x128xf32> to vector<256x128xf32>
      %eq3A_69 = arith.cmpf oeq, %max3A_23, %eq3A_68 : vector<256x128xf32>
      %gt3A_70 = vector.broadcast %broadcast_in_dim3A_65 : vector<1x128xi32> to vector<256x128xi32>
      %gt3A_71 = arith.cmpi sgt, %iota3A, %gt3A_70 : vector<256x128xi32>
      %and3A_72 = arith.andi %eq3A_69, %gt3A_71 : vector<256x128xi1>
      %or3A_73 = arith.ori %lt3A_67, %and3A_72 : vector<256x128xi1>
      %jit3A_74 = arith.constant -1.000000e+00 : f32
      %broadcast_in_dim3A_75 = vector.broadcast %jit3A_74 : f32 to vector<256x128xf32>
      %select_n3A_76 = arith.select %or3A_73, %max3A_23, %broadcast_in_dim3A_75 : vector<256x128xi1>, vector<256x128xf32>
      %reduce_max3A_77 = arith.constant dense<0xFF800000> : vector<128xf32>
      %reduce_max3A_78 = vector.multi_reduction <maximumf>, %select_n3A_76, %reduce_max3A_77 [0] : vector<256x128xf32> to vector<128xf32>
      %broadcast_in_dim3A_79 = vector.shape_cast %reduce_max3A_78 : vector<128xf32> to vector<1x128xf32>
      %eq3A_80 = vector.broadcast %broadcast_in_dim3A_79 : vector<1x128xf32> to vector<256x128xf32>
      %eq3A_81 = arith.cmpf oeq, %select_n3A_76, %eq3A_80 : vector<256x128xf32>
      %jit3A_82 = arith.constant 1073741824 : i32
      %broadcast_in_dim3A_83 = vector.broadcast %jit3A_82 : i32 to vector<256x128xi32>
      %select_n3A_84 = arith.select %eq3A_81, %iota3A, %broadcast_in_dim3A_83 : vector<256x128xi1>, vector<256x128xi32>
      %reduce_min3A_85 = arith.constant dense<2147483647> : vector<128xi32>
      %reduce_min3A_86 = vector.multi_reduction <minsi>, %select_n3A_84, %reduce_min3A_85 [0] : vector<256x128xi32> to vector<128xi32>
      %broadcast_in_dim3A_87 = vector.shape_cast %reduce_min3A_86 : vector<128xi32> to vector<1x128xi32>
      %lt3A_88 = vector.broadcast %broadcast_in_dim3A_79 : vector<1x128xf32> to vector<256x128xf32>
      %lt3A_89 = arith.cmpf olt, %max3A_23, %lt3A_88 : vector<256x128xf32>
      %eq3A_90 = vector.broadcast %broadcast_in_dim3A_79 : vector<1x128xf32> to vector<256x128xf32>
      %eq3A_91 = arith.cmpf oeq, %max3A_23, %eq3A_90 : vector<256x128xf32>
      %gt3A_92 = vector.broadcast %broadcast_in_dim3A_87 : vector<1x128xi32> to vector<256x128xi32>
      %gt3A_93 = arith.cmpi sgt, %iota3A, %gt3A_92 : vector<256x128xi32>
      %and3A_94 = arith.andi %eq3A_91, %gt3A_93 : vector<256x128xi1>
      %or3A_95 = arith.ori %lt3A_89, %and3A_94 : vector<256x128xi1>
      %jit3A_96 = arith.constant -1.000000e+00 : f32
      %broadcast_in_dim3A_97 = vector.broadcast %jit3A_96 : f32 to vector<256x128xf32>
      %select_n3A_98 = arith.select %or3A_95, %max3A_23, %broadcast_in_dim3A_97 : vector<256x128xi1>, vector<256x128xf32>
      %reduce_max3A_99 = arith.constant dense<0xFF800000> : vector<128xf32>
      %reduce_max3A_100 = vector.multi_reduction <maximumf>, %select_n3A_98, %reduce_max3A_99 [0] : vector<256x128xf32> to vector<128xf32>
      %broadcast_in_dim3A_101 = vector.shape_cast %reduce_max3A_100 : vector<128xf32> to vector<1x128xf32>
      %eq3A_102 = vector.broadcast %broadcast_in_dim3A_101 : vector<1x128xf32> to vector<256x128xf32>
      %eq3A_103 = arith.cmpf oeq, %select_n3A_98, %eq3A_102 : vector<256x128xf32>
      %jit3A_104 = arith.constant 1073741824 : i32
      %broadcast_in_dim3A_105 = vector.broadcast %jit3A_104 : i32 to vector<256x128xi32>
      %select_n3A_106 = arith.select %eq3A_103, %iota3A, %broadcast_in_dim3A_105 : vector<256x128xi1>, vector<256x128xi32>
      %reduce_min3A_107 = arith.constant dense<2147483647> : vector<128xi32>
      %reduce_min3A_108 = vector.multi_reduction <minsi>, %select_n3A_106, %reduce_min3A_107 [0] : vector<256x128xi32> to vector<128xi32>
      %broadcast_in_dim3A_109 = vector.shape_cast %reduce_min3A_108 : vector<128xi32> to vector<1x128xi32>
      %lt3A_110 = vector.broadcast %broadcast_in_dim3A_101 : vector<1x128xf32> to vector<256x128xf32>
      %lt3A_111 = arith.cmpf olt, %max3A_23, %lt3A_110 : vector<256x128xf32>
      %eq3A_112 = vector.broadcast %broadcast_in_dim3A_101 : vector<1x128xf32> to vector<256x128xf32>
      %eq3A_113 = arith.cmpf oeq, %max3A_23, %eq3A_112 : vector<256x128xf32>
      %gt3A_114 = vector.broadcast %broadcast_in_dim3A_109 : vector<1x128xi32> to vector<256x128xi32>
      %gt3A_115 = arith.cmpi sgt, %iota3A, %gt3A_114 : vector<256x128xi32>
      %and3A_116 = arith.andi %eq3A_113, %gt3A_115 : vector<256x128xi1>
      %or3A_117 = arith.ori %lt3A_111, %and3A_116 : vector<256x128xi1>
      %jit3A_118 = arith.constant -1.000000e+00 : f32
      %broadcast_in_dim3A_119 = vector.broadcast %jit3A_118 : f32 to vector<256x128xf32>
      %select_n3A_120 = arith.select %or3A_117, %max3A_23, %broadcast_in_dim3A_119 : vector<256x128xi1>, vector<256x128xf32>
      %reduce_max3A_121 = arith.constant dense<0xFF800000> : vector<128xf32>
      %reduce_max3A_122 = vector.multi_reduction <maximumf>, %select_n3A_120, %reduce_max3A_121 [0] : vector<256x128xf32> to vector<128xf32>
      %broadcast_in_dim3A_123 = vector.shape_cast %reduce_max3A_122 : vector<128xf32> to vector<1x128xf32>
      %eq3A_124 = vector.broadcast %broadcast_in_dim3A_123 : vector<1x128xf32> to vector<256x128xf32>
      %eq3A_125 = arith.cmpf oeq, %select_n3A_120, %eq3A_124 : vector<256x128xf32>
      %jit3A_126 = arith.constant 1073741824 : i32
      %broadcast_in_dim3A_127 = vector.broadcast %jit3A_126 : i32 to vector<256x128xi32>
      %select_n3A_128 = arith.select %eq3A_125, %iota3A, %broadcast_in_dim3A_127 : vector<256x128xi1>, vector<256x128xi32>
      %reduce_min3A_129 = arith.constant dense<2147483647> : vector<128xi32>
      %reduce_min3A_130 = vector.multi_reduction <minsi>, %select_n3A_128, %reduce_min3A_129 [0] : vector<256x128xi32> to vector<128xi32>
      %broadcast_in_dim3A_131 = vector.shape_cast %reduce_min3A_130 : vector<128xi32> to vector<1x128xi32>
      %lt3A_132 = vector.broadcast %broadcast_in_dim3A_123 : vector<1x128xf32> to vector<256x128xf32>
      %lt3A_133 = arith.cmpf olt, %max3A_23, %lt3A_132 : vector<256x128xf32>
      %eq3A_134 = vector.broadcast %broadcast_in_dim3A_123 : vector<1x128xf32> to vector<256x128xf32>
      %eq3A_135 = arith.cmpf oeq, %max3A_23, %eq3A_134 : vector<256x128xf32>
      %gt3A_136 = vector.broadcast %broadcast_in_dim3A_131 : vector<1x128xi32> to vector<256x128xi32>
      %gt3A_137 = arith.cmpi sgt, %iota3A, %gt3A_136 : vector<256x128xi32>
      %and3A_138 = arith.andi %eq3A_135, %gt3A_137 : vector<256x128xi1>
      %or3A_139 = arith.ori %lt3A_133, %and3A_138 : vector<256x128xi1>
      %jit3A_140 = arith.constant -1.000000e+00 : f32
      %broadcast_in_dim3A_141 = vector.broadcast %jit3A_140 : f32 to vector<256x128xf32>
      %select_n3A_142 = arith.select %or3A_139, %max3A_23, %broadcast_in_dim3A_141 : vector<256x128xi1>, vector<256x128xf32>
      %reduce_max3A_143 = arith.constant dense<0xFF800000> : vector<128xf32>
      %reduce_max3A_144 = vector.multi_reduction <maximumf>, %select_n3A_142, %reduce_max3A_143 [0] : vector<256x128xf32> to vector<128xf32>
      %broadcast_in_dim3A_145 = vector.shape_cast %reduce_max3A_144 : vector<128xf32> to vector<1x128xf32>
      %eq3A_146 = vector.broadcast %broadcast_in_dim3A_145 : vector<1x128xf32> to vector<256x128xf32>
      %eq3A_147 = arith.cmpf oeq, %select_n3A_142, %eq3A_146 : vector<256x128xf32>
      %jit3A_148 = arith.constant 1073741824 : i32
      %broadcast_in_dim3A_149 = vector.broadcast %jit3A_148 : i32 to vector<256x128xi32>
      %select_n3A_150 = arith.select %eq3A_147, %iota3A, %broadcast_in_dim3A_149 : vector<256x128xi1>, vector<256x128xi32>
      %reduce_min3A_151 = arith.constant dense<2147483647> : vector<128xi32>
      %reduce_min3A_152 = vector.multi_reduction <minsi>, %select_n3A_150, %reduce_min3A_151 [0] : vector<256x128xi32> to vector<128xi32>
      %broadcast_in_dim3A_153 = vector.shape_cast %reduce_min3A_152 : vector<128xi32> to vector<1x128xi32>
      %lt3A_154 = vector.broadcast %broadcast_in_dim3A_145 : vector<1x128xf32> to vector<256x128xf32>
      %lt3A_155 = arith.cmpf olt, %max3A_23, %lt3A_154 : vector<256x128xf32>
      %eq3A_156 = vector.broadcast %broadcast_in_dim3A_145 : vector<1x128xf32> to vector<256x128xf32>
      %eq3A_157 = arith.cmpf oeq, %max3A_23, %eq3A_156 : vector<256x128xf32>
      %gt3A_158 = vector.broadcast %broadcast_in_dim3A_153 : vector<1x128xi32> to vector<256x128xi32>
      %gt3A_159 = arith.cmpi sgt, %iota3A, %gt3A_158 : vector<256x128xi32>
      %and3A_160 = arith.andi %eq3A_157, %gt3A_159 : vector<256x128xi1>
      %or3A_161 = arith.ori %lt3A_155, %and3A_160 : vector<256x128xi1>
      %jit3A_162 = arith.constant -1.000000e+00 : f32
      %broadcast_in_dim3A_163 = vector.broadcast %jit3A_162 : f32 to vector<256x128xf32>
      %select_n3A_164 = arith.select %or3A_161, %max3A_23, %broadcast_in_dim3A_163 : vector<256x128xi1>, vector<256x128xf32>
      %reduce_max3A_165 = arith.constant dense<0xFF800000> : vector<128xf32>
      %reduce_max3A_166 = vector.multi_reduction <maximumf>, %select_n3A_164, %reduce_max3A_165 [0] : vector<256x128xf32> to vector<128xf32>
      %broadcast_in_dim3A_167 = vector.shape_cast %reduce_max3A_166 : vector<128xf32> to vector<1x128xf32>
      %eq3A_168 = vector.broadcast %broadcast_in_dim3A_167 : vector<1x128xf32> to vector<256x128xf32>
      %eq3A_169 = arith.cmpf oeq, %select_n3A_164, %eq3A_168 : vector<256x128xf32>
      %jit3A_170 = arith.constant 1073741824 : i32
      %broadcast_in_dim3A_171 = vector.broadcast %jit3A_170 : i32 to vector<256x128xi32>
      %select_n3A_172 = arith.select %eq3A_169, %iota3A, %broadcast_in_dim3A_171 : vector<256x128xi1>, vector<256x128xi32>
      %reduce_min3A_173 = arith.constant dense<2147483647> : vector<128xi32>
      %reduce_min3A_174 = vector.multi_reduction <minsi>, %select_n3A_172, %reduce_min3A_173 [0] : vector<256x128xi32> to vector<128xi32>
      %broadcast_in_dim3A_175 = vector.shape_cast %reduce_min3A_174 : vector<128xi32> to vector<1x128xi32>
      %lt3A_176 = vector.broadcast %broadcast_in_dim3A_167 : vector<1x128xf32> to vector<256x128xf32>
      %lt3A_177 = arith.cmpf olt, %max3A_23, %lt3A_176 : vector<256x128xf32>
      %eq3A_178 = vector.broadcast %broadcast_in_dim3A_167 : vector<1x128xf32> to vector<256x128xf32>
      %eq3A_179 = arith.cmpf oeq, %max3A_23, %eq3A_178 : vector<256x128xf32>
      %gt3A_180 = vector.broadcast %broadcast_in_dim3A_175 : vector<1x128xi32> to vector<256x128xi32>
      %gt3A_181 = arith.cmpi sgt, %iota3A, %gt3A_180 : vector<256x128xi32>
      %and3A_182 = arith.andi %eq3A_179, %gt3A_181 : vector<256x128xi1>
      %or3A_183 = arith.ori %lt3A_177, %and3A_182 : vector<256x128xi1>
      %jit3A_184 = arith.constant -1.000000e+00 : f32
      %broadcast_in_dim3A_185 = vector.broadcast %jit3A_184 : f32 to vector<256x128xf32>
      %select_n3A_186 = arith.select %or3A_183, %max3A_23, %broadcast_in_dim3A_185 : vector<256x128xi1>, vector<256x128xf32>
      %reduce_max3A_187 = arith.constant dense<0xFF800000> : vector<128xf32>
      %reduce_max3A_188 = vector.multi_reduction <maximumf>, %select_n3A_186, %reduce_max3A_187 [0] : vector<256x128xf32> to vector<128xf32>
      %broadcast_in_dim3A_189 = vector.shape_cast %reduce_max3A_188 : vector<128xf32> to vector<1x128xf32>
      %eq3A_190 = vector.broadcast %broadcast_in_dim3A_189 : vector<1x128xf32> to vector<256x128xf32>
      %eq3A_191 = arith.cmpf oeq, %select_n3A_186, %eq3A_190 : vector<256x128xf32>
      %jit3A_192 = arith.constant 1073741824 : i32
      %broadcast_in_dim3A_193 = vector.broadcast %jit3A_192 : i32 to vector<256x128xi32>
      %select_n3A_194 = arith.select %eq3A_191, %iota3A, %broadcast_in_dim3A_193 : vector<256x128xi1>, vector<256x128xi32>
      %reduce_min3A_195 = arith.constant dense<2147483647> : vector<128xi32>
      %reduce_min3A_196 = vector.multi_reduction <minsi>, %select_n3A_194, %reduce_min3A_195 [0] : vector<256x128xi32> to vector<128xi32>
      %broadcast_in_dim3A_197 = vector.shape_cast %reduce_min3A_196 : vector<128xi32> to vector<1x128xi32>
      %lt3A_198 = vector.broadcast %broadcast_in_dim3A_189 : vector<1x128xf32> to vector<256x128xf32>
      %lt3A_199 = arith.cmpf olt, %max3A_23, %lt3A_198 : vector<256x128xf32>
      %eq3A_200 = vector.broadcast %broadcast_in_dim3A_189 : vector<1x128xf32> to vector<256x128xf32>
      %eq3A_201 = arith.cmpf oeq, %max3A_23, %eq3A_200 : vector<256x128xf32>
      %gt3A_202 = vector.broadcast %broadcast_in_dim3A_197 : vector<1x128xi32> to vector<256x128xi32>
      %gt3A_203 = arith.cmpi sgt, %iota3A, %gt3A_202 : vector<256x128xi32>
      %and3A_204 = arith.andi %eq3A_201, %gt3A_203 : vector<256x128xi1>
      %or3A_205 = arith.ori %lt3A_199, %and3A_204 : vector<256x128xi1>
      %jit3A_206 = arith.constant -1.000000e+00 : f32
      %broadcast_in_dim3A_207 = vector.broadcast %jit3A_206 : f32 to vector<256x128xf32>
      %select_n3A_208 = arith.select %or3A_205, %max3A_23, %broadcast_in_dim3A_207 : vector<256x128xi1>, vector<256x128xf32>
      %reduce_max3A_209 = arith.constant dense<0xFF800000> : vector<128xf32>
      %reduce_max3A_210 = vector.multi_reduction <maximumf>, %select_n3A_208, %reduce_max3A_209 [0] : vector<256x128xf32> to vector<128xf32>
      %broadcast_in_dim3A_211 = vector.shape_cast %reduce_max3A_210 : vector<128xf32> to vector<1x128xf32>
      %eq3A_212 = vector.broadcast %broadcast_in_dim3A_211 : vector<1x128xf32> to vector<256x128xf32>
      %eq3A_213 = arith.cmpf oeq, %select_n3A_208, %eq3A_212 : vector<256x128xf32>
      %jit3A_214 = arith.constant 1073741824 : i32
      %broadcast_in_dim3A_215 = vector.broadcast %jit3A_214 : i32 to vector<256x128xi32>
      %select_n3A_216 = arith.select %eq3A_213, %iota3A, %broadcast_in_dim3A_215 : vector<256x128xi1>, vector<256x128xi32>
      %reduce_min3A_217 = arith.constant dense<2147483647> : vector<128xi32>
      %reduce_min3A_218 = vector.multi_reduction <minsi>, %select_n3A_216, %reduce_min3A_217 [0] : vector<256x128xi32> to vector<128xi32>
      %broadcast_in_dim3A_219 = vector.shape_cast %reduce_min3A_218 : vector<128xi32> to vector<1x128xi32>
      %lt3A_220 = vector.broadcast %broadcast_in_dim3A_211 : vector<1x128xf32> to vector<256x128xf32>
      %lt3A_221 = arith.cmpf olt, %max3A_23, %lt3A_220 : vector<256x128xf32>
      %eq3A_222 = vector.broadcast %broadcast_in_dim3A_211 : vector<1x128xf32> to vector<256x128xf32>
      %eq3A_223 = arith.cmpf oeq, %max3A_23, %eq3A_222 : vector<256x128xf32>
      %gt3A_224 = vector.broadcast %broadcast_in_dim3A_219 : vector<1x128xi32> to vector<256x128xi32>
      %gt3A_225 = arith.cmpi sgt, %iota3A, %gt3A_224 : vector<256x128xi32>
      %and3A_226 = arith.andi %eq3A_223, %gt3A_225 : vector<256x128xi1>
      %or3A_227 = arith.ori %lt3A_221, %and3A_226 : vector<256x128xi1>
      %jit3A_228 = arith.constant -1.000000e+00 : f32
      %broadcast_in_dim3A_229 = vector.broadcast %jit3A_228 : f32 to vector<256x128xf32>
      %select_n3A_230 = arith.select %or3A_227, %max3A_23, %broadcast_in_dim3A_229 : vector<256x128xi1>, vector<256x128xf32>
      %reduce_max3A_231 = arith.constant dense<0xFF800000> : vector<128xf32>
      %reduce_max3A_232 = vector.multi_reduction <maximumf>, %select_n3A_230, %reduce_max3A_231 [0] : vector<256x128xf32> to vector<128xf32>
      %broadcast_in_dim3A_233 = vector.shape_cast %reduce_max3A_232 : vector<128xf32> to vector<1x128xf32>
      %eq3A_234 = vector.broadcast %broadcast_in_dim3A_233 : vector<1x128xf32> to vector<256x128xf32>
      %eq3A_235 = arith.cmpf oeq, %select_n3A_230, %eq3A_234 : vector<256x128xf32>
      %jit3A_236 = arith.constant 1073741824 : i32
      %broadcast_in_dim3A_237 = vector.broadcast %jit3A_236 : i32 to vector<256x128xi32>
      %select_n3A_238 = arith.select %eq3A_235, %iota3A, %broadcast_in_dim3A_237 : vector<256x128xi1>, vector<256x128xi32>
      %reduce_min3A_239 = arith.constant dense<2147483647> : vector<128xi32>
      %reduce_min3A_240 = vector.multi_reduction <minsi>, %select_n3A_238, %reduce_min3A_239 [0] : vector<256x128xi32> to vector<128xi32>
      %broadcast_in_dim3A_241 = vector.shape_cast %reduce_min3A_240 : vector<128xi32> to vector<1x128xi32>
      %lt3A_242 = vector.broadcast %broadcast_in_dim3A_233 : vector<1x128xf32> to vector<256x128xf32>
      %lt3A_243 = arith.cmpf olt, %max3A_23, %lt3A_242 : vector<256x128xf32>
      %eq3A_244 = vector.broadcast %broadcast_in_dim3A_233 : vector<1x128xf32> to vector<256x128xf32>
      %eq3A_245 = arith.cmpf oeq, %max3A_23, %eq3A_244 : vector<256x128xf32>
      %gt3A_246 = vector.broadcast %broadcast_in_dim3A_241 : vector<1x128xi32> to vector<256x128xi32>
      %gt3A_247 = arith.cmpi sgt, %iota3A, %gt3A_246 : vector<256x128xi32>
      %and3A_248 = arith.andi %eq3A_245, %gt3A_247 : vector<256x128xi1>
      %or3A_249 = arith.ori %lt3A_243, %and3A_248 : vector<256x128xi1>
      %jit3A_250 = arith.constant -1.000000e+00 : f32
      %broadcast_in_dim3A_251 = vector.broadcast %jit3A_250 : f32 to vector<256x128xf32>
      %select_n3A_252 = arith.select %or3A_249, %max3A_23, %broadcast_in_dim3A_251 : vector<256x128xi1>, vector<256x128xf32>
      %reduce_max3A_253 = arith.constant dense<0xFF800000> : vector<128xf32>
      %reduce_max3A_254 = vector.multi_reduction <maximumf>, %select_n3A_252, %reduce_max3A_253 [0] : vector<256x128xf32> to vector<128xf32>
      %broadcast_in_dim3A_255 = vector.shape_cast %reduce_max3A_254 : vector<128xf32> to vector<1x128xf32>
      %eq3A_256 = vector.broadcast %broadcast_in_dim3A_255 : vector<1x128xf32> to vector<256x128xf32>
      %eq3A_257 = arith.cmpf oeq, %select_n3A_252, %eq3A_256 : vector<256x128xf32>
      %jit3A_258 = arith.constant 1073741824 : i32
      %broadcast_in_dim3A_259 = vector.broadcast %jit3A_258 : i32 to vector<256x128xi32>
      %select_n3A_260 = arith.select %eq3A_257, %iota3A, %broadcast_in_dim3A_259 : vector<256x128xi1>, vector<256x128xi32>
      %reduce_min3A_261 = arith.constant dense<2147483647> : vector<128xi32>
      %reduce_min3A_262 = vector.multi_reduction <minsi>, %select_n3A_260, %reduce_min3A_261 [0] : vector<256x128xi32> to vector<128xi32>
      %broadcast_in_dim3A_263 = vector.shape_cast %reduce_min3A_262 : vector<128xi32> to vector<1x128xi32>
      %lt3A_264 = vector.broadcast %broadcast_in_dim3A_255 : vector<1x128xf32> to vector<256x128xf32>
      %lt3A_265 = arith.cmpf olt, %max3A_23, %lt3A_264 : vector<256x128xf32>
      %eq3A_266 = vector.broadcast %broadcast_in_dim3A_255 : vector<1x128xf32> to vector<256x128xf32>
      %eq3A_267 = arith.cmpf oeq, %max3A_23, %eq3A_266 : vector<256x128xf32>
      %gt3A_268 = vector.broadcast %broadcast_in_dim3A_263 : vector<1x128xi32> to vector<256x128xi32>
      %gt3A_269 = arith.cmpi sgt, %iota3A, %gt3A_268 : vector<256x128xi32>
      %and3A_270 = arith.andi %eq3A_267, %gt3A_269 : vector<256x128xi1>
      %or3A_271 = arith.ori %lt3A_265, %and3A_270 : vector<256x128xi1>
      %jit3A_272 = arith.constant -1.000000e+00 : f32
      %broadcast_in_dim3A_273 = vector.broadcast %jit3A_272 : f32 to vector<256x128xf32>
      %select_n3A_274 = arith.select %or3A_271, %max3A_23, %broadcast_in_dim3A_273 : vector<256x128xi1>, vector<256x128xf32>
      %reduce_max3A_275 = arith.constant dense<0xFF800000> : vector<128xf32>
      %reduce_max3A_276 = vector.multi_reduction <maximumf>, %select_n3A_274, %reduce_max3A_275 [0] : vector<256x128xf32> to vector<128xf32>
      %broadcast_in_dim3A_277 = vector.shape_cast %reduce_max3A_276 : vector<128xf32> to vector<1x128xf32>
      %eq3A_278 = vector.broadcast %broadcast_in_dim3A_277 : vector<1x128xf32> to vector<256x128xf32>
      %eq3A_279 = arith.cmpf oeq, %select_n3A_274, %eq3A_278 : vector<256x128xf32>
      %jit3A_280 = arith.constant 1073741824 : i32
      %broadcast_in_dim3A_281 = vector.broadcast %jit3A_280 : i32 to vector<256x128xi32>
      %select_n3A_282 = arith.select %eq3A_279, %iota3A, %broadcast_in_dim3A_281 : vector<256x128xi1>, vector<256x128xi32>
      %reduce_min3A_283 = arith.constant dense<2147483647> : vector<128xi32>
      %reduce_min3A_284 = vector.multi_reduction <minsi>, %select_n3A_282, %reduce_min3A_283 [0] : vector<256x128xi32> to vector<128xi32>
      %broadcast_in_dim3A_285 = vector.shape_cast %reduce_min3A_284 : vector<128xi32> to vector<1x128xi32>
      %lt3A_286 = vector.broadcast %broadcast_in_dim3A_277 : vector<1x128xf32> to vector<256x128xf32>
      %lt3A_287 = arith.cmpf olt, %max3A_23, %lt3A_286 : vector<256x128xf32>
      %eq3A_288 = vector.broadcast %broadcast_in_dim3A_277 : vector<1x128xf32> to vector<256x128xf32>
      %eq3A_289 = arith.cmpf oeq, %max3A_23, %eq3A_288 : vector<256x128xf32>
      %gt3A_290 = vector.broadcast %broadcast_in_dim3A_285 : vector<1x128xi32> to vector<256x128xi32>
      %gt3A_291 = arith.cmpi sgt, %iota3A, %gt3A_290 : vector<256x128xi32>
      %and3A_292 = arith.andi %eq3A_289, %gt3A_291 : vector<256x128xi1>
      %or3A_293 = arith.ori %lt3A_287, %and3A_292 : vector<256x128xi1>
      %jit3A_294 = arith.constant -1.000000e+00 : f32
      %broadcast_in_dim3A_295 = vector.broadcast %jit3A_294 : f32 to vector<256x128xf32>
      %select_n3A_296 = arith.select %or3A_293, %max3A_23, %broadcast_in_dim3A_295 : vector<256x128xi1>, vector<256x128xf32>
      %reduce_max3A_297 = arith.constant dense<0xFF800000> : vector<128xf32>
      %reduce_max3A_298 = vector.multi_reduction <maximumf>, %select_n3A_296, %reduce_max3A_297 [0] : vector<256x128xf32> to vector<128xf32>
      %broadcast_in_dim3A_299 = vector.shape_cast %reduce_max3A_298 : vector<128xf32> to vector<1x128xf32>
      %eq3A_300 = vector.broadcast %broadcast_in_dim3A_299 : vector<1x128xf32> to vector<256x128xf32>
      %eq3A_301 = arith.cmpf oeq, %select_n3A_296, %eq3A_300 : vector<256x128xf32>
      %jit3A_302 = arith.constant 1073741824 : i32
      %broadcast_in_dim3A_303 = vector.broadcast %jit3A_302 : i32 to vector<256x128xi32>
      %select_n3A_304 = arith.select %eq3A_301, %iota3A, %broadcast_in_dim3A_303 : vector<256x128xi1>, vector<256x128xi32>
      %reduce_min3A_305 = arith.constant dense<2147483647> : vector<128xi32>
      %reduce_min3A_306 = vector.multi_reduction <minsi>, %select_n3A_304, %reduce_min3A_305 [0] : vector<256x128xi32> to vector<128xi32>
      %broadcast_in_dim3A_307 = vector.shape_cast %reduce_min3A_306 : vector<128xi32> to vector<1x128xi32>
      %lt3A_308 = vector.broadcast %broadcast_in_dim3A_299 : vector<1x128xf32> to vector<256x128xf32>
      %lt3A_309 = arith.cmpf olt, %max3A_23, %lt3A_308 : vector<256x128xf32>
      %eq3A_310 = vector.broadcast %broadcast_in_dim3A_299 : vector<1x128xf32> to vector<256x128xf32>
      %eq3A_311 = arith.cmpf oeq, %max3A_23, %eq3A_310 : vector<256x128xf32>
      %gt3A_312 = vector.broadcast %broadcast_in_dim3A_307 : vector<1x128xi32> to vector<256x128xi32>
      %gt3A_313 = arith.cmpi sgt, %iota3A, %gt3A_312 : vector<256x128xi32>
      %and3A_314 = arith.andi %eq3A_311, %gt3A_313 : vector<256x128xi1>
      %or3A_315 = arith.ori %lt3A_309, %and3A_314 : vector<256x128xi1>
      %jit3A_316 = arith.constant -1.000000e+00 : f32
      %broadcast_in_dim3A_317 = vector.broadcast %jit3A_316 : f32 to vector<256x128xf32>
      %select_n3A_318 = arith.select %or3A_315, %max3A_23, %broadcast_in_dim3A_317 : vector<256x128xi1>, vector<256x128xf32>
      %reduce_max3A_319 = arith.constant dense<0xFF800000> : vector<128xf32>
      %reduce_max3A_320 = vector.multi_reduction <maximumf>, %select_n3A_318, %reduce_max3A_319 [0] : vector<256x128xf32> to vector<128xf32>
      %broadcast_in_dim3A_321 = vector.shape_cast %reduce_max3A_320 : vector<128xf32> to vector<1x128xf32>
      %eq3A_322 = vector.broadcast %broadcast_in_dim3A_321 : vector<1x128xf32> to vector<256x128xf32>
      %eq3A_323 = arith.cmpf oeq, %select_n3A_318, %eq3A_322 : vector<256x128xf32>
      %jit3A_324 = arith.constant 1073741824 : i32
      %broadcast_in_dim3A_325 = vector.broadcast %jit3A_324 : i32 to vector<256x128xi32>
      %select_n3A_326 = arith.select %eq3A_323, %iota3A, %broadcast_in_dim3A_325 : vector<256x128xi1>, vector<256x128xi32>
      %reduce_min3A_327 = arith.constant dense<2147483647> : vector<128xi32>
      %reduce_min3A_328 = vector.multi_reduction <minsi>, %select_n3A_326, %reduce_min3A_327 [0] : vector<256x128xi32> to vector<128xi32>
      %broadcast_in_dim3A_329 = vector.shape_cast %reduce_min3A_328 : vector<128xi32> to vector<1x128xi32>
      %lt3A_330 = vector.broadcast %broadcast_in_dim3A_321 : vector<1x128xf32> to vector<256x128xf32>
      %lt3A_331 = arith.cmpf olt, %max3A_23, %lt3A_330 : vector<256x128xf32>
      %eq3A_332 = vector.broadcast %broadcast_in_dim3A_321 : vector<1x128xf32> to vector<256x128xf32>
      %eq3A_333 = arith.cmpf oeq, %max3A_23, %eq3A_332 : vector<256x128xf32>
      %gt3A_334 = vector.broadcast %broadcast_in_dim3A_329 : vector<1x128xi32> to vector<256x128xi32>
      %gt3A_335 = arith.cmpi sgt, %iota3A, %gt3A_334 : vector<256x128xi32>
      %and3A_336 = arith.andi %eq3A_333, %gt3A_335 : vector<256x128xi1>
      %or3A_337 = arith.ori %lt3A_331, %and3A_336 : vector<256x128xi1>
      %jit3A_338 = arith.constant -1.000000e+00 : f32
      %broadcast_in_dim3A_339 = vector.broadcast %jit3A_338 : f32 to vector<256x128xf32>
      %select_n3A_340 = arith.select %or3A_337, %max3A_23, %broadcast_in_dim3A_339 : vector<256x128xi1>, vector<256x128xf32>
      %reduce_max3A_341 = arith.constant dense<0xFF800000> : vector<128xf32>
      %reduce_max3A_342 = vector.multi_reduction <maximumf>, %select_n3A_340, %reduce_max3A_341 [0] : vector<256x128xf32> to vector<128xf32>
      %broadcast_in_dim3A_343 = vector.shape_cast %reduce_max3A_342 : vector<128xf32> to vector<1x128xf32>
      %eq3A_344 = vector.broadcast %broadcast_in_dim3A_343 : vector<1x128xf32> to vector<256x128xf32>
      %eq3A_345 = arith.cmpf oeq, %select_n3A_340, %eq3A_344 : vector<256x128xf32>
      %jit3A_346 = arith.constant 1073741824 : i32
      %broadcast_in_dim3A_347 = vector.broadcast %jit3A_346 : i32 to vector<256x128xi32>
      %select_n3A_348 = arith.select %eq3A_345, %iota3A, %broadcast_in_dim3A_347 : vector<256x128xi1>, vector<256x128xi32>
      %reduce_min3A_349 = arith.constant dense<2147483647> : vector<128xi32>
      %reduce_min3A_350 = vector.multi_reduction <minsi>, %select_n3A_348, %reduce_min3A_349 [0] : vector<256x128xi32> to vector<128xi32>
      %broadcast_in_dim3A_351 = vector.shape_cast %reduce_min3A_350 : vector<128xi32> to vector<1x128xi32>
      %lt3A_352 = vector.broadcast %broadcast_in_dim3A_343 : vector<1x128xf32> to vector<256x128xf32>
      %lt3A_353 = arith.cmpf olt, %max3A_23, %lt3A_352 : vector<256x128xf32>
      %eq3A_354 = vector.broadcast %broadcast_in_dim3A_343 : vector<1x128xf32> to vector<256x128xf32>
      %eq3A_355 = arith.cmpf oeq, %max3A_23, %eq3A_354 : vector<256x128xf32>
      %gt3A_356 = vector.broadcast %broadcast_in_dim3A_351 : vector<1x128xi32> to vector<256x128xi32>
      %gt3A_357 = arith.cmpi sgt, %iota3A, %gt3A_356 : vector<256x128xi32>
      %and3A_358 = arith.andi %eq3A_355, %gt3A_357 : vector<256x128xi1>
      %or3A_359 = arith.ori %lt3A_353, %and3A_358 : vector<256x128xi1>
      %jit3A_360 = arith.constant -1.000000e+00 : f32
      %broadcast_in_dim3A_361 = vector.broadcast %jit3A_360 : f32 to vector<256x128xf32>
      %select_n3A_362 = arith.select %or3A_359, %max3A_23, %broadcast_in_dim3A_361 : vector<256x128xi1>, vector<256x128xf32>
      %reduce_max3A_363 = arith.constant dense<0xFF800000> : vector<128xf32>
      %reduce_max3A_364 = vector.multi_reduction <maximumf>, %select_n3A_362, %reduce_max3A_363 [0] : vector<256x128xf32> to vector<128xf32>
      %broadcast_in_dim3A_365 = vector.shape_cast %reduce_max3A_364 : vector<128xf32> to vector<1x128xf32>
      %eq3A_366 = vector.broadcast %broadcast_in_dim3A_365 : vector<1x128xf32> to vector<256x128xf32>
      %eq3A_367 = arith.cmpf oeq, %select_n3A_362, %eq3A_366 : vector<256x128xf32>
      %jit3A_368 = arith.constant 1073741824 : i32
      %broadcast_in_dim3A_369 = vector.broadcast %jit3A_368 : i32 to vector<256x128xi32>
      %select_n3A_370 = arith.select %eq3A_367, %iota3A, %broadcast_in_dim3A_369 : vector<256x128xi1>, vector<256x128xi32>
      %reduce_min3A_371 = arith.constant dense<2147483647> : vector<128xi32>
      %reduce_min3A_372 = vector.multi_reduction <minsi>, %select_n3A_370, %reduce_min3A_371 [0] : vector<256x128xi32> to vector<128xi32>
      %broadcast_in_dim3A_373 = vector.shape_cast %reduce_min3A_372 : vector<128xi32> to vector<1x128xi32>
      %lt3A_374 = vector.broadcast %broadcast_in_dim3A_365 : vector<1x128xf32> to vector<256x128xf32>
      %lt3A_375 = arith.cmpf olt, %max3A_23, %lt3A_374 : vector<256x128xf32>
      %eq3A_376 = vector.broadcast %broadcast_in_dim3A_365 : vector<1x128xf32> to vector<256x128xf32>
      %eq3A_377 = arith.cmpf oeq, %max3A_23, %eq3A_376 : vector<256x128xf32>
      %gt3A_378 = vector.broadcast %broadcast_in_dim3A_373 : vector<1x128xi32> to vector<256x128xi32>
      %gt3A_379 = arith.cmpi sgt, %iota3A, %gt3A_378 : vector<256x128xi32>
      %and3A_380 = arith.andi %eq3A_377, %gt3A_379 : vector<256x128xi1>
      %or3A_381 = arith.ori %lt3A_375, %and3A_380 : vector<256x128xi1>
      %jit3A_382 = arith.constant -1.000000e+00 : f32
      %broadcast_in_dim3A_383 = vector.broadcast %jit3A_382 : f32 to vector<256x128xf32>
      %select_n3A_384 = arith.select %or3A_381, %max3A_23, %broadcast_in_dim3A_383 : vector<256x128xi1>, vector<256x128xf32>
      %reduce_max3A_385 = arith.constant dense<0xFF800000> : vector<128xf32>
      %reduce_max3A_386 = vector.multi_reduction <maximumf>, %select_n3A_384, %reduce_max3A_385 [0] : vector<256x128xf32> to vector<128xf32>
      %broadcast_in_dim3A_387 = vector.shape_cast %reduce_max3A_386 : vector<128xf32> to vector<1x128xf32>
      %eq3A_388 = vector.broadcast %broadcast_in_dim3A_387 : vector<1x128xf32> to vector<256x128xf32>
      %eq3A_389 = arith.cmpf oeq, %select_n3A_384, %eq3A_388 : vector<256x128xf32>
      %jit3A_390 = arith.constant 1073741824 : i32
      %broadcast_in_dim3A_391 = vector.broadcast %jit3A_390 : i32 to vector<256x128xi32>
      %select_n3A_392 = arith.select %eq3A_389, %iota3A, %broadcast_in_dim3A_391 : vector<256x128xi1>, vector<256x128xi32>
      %reduce_min3A_393 = arith.constant dense<2147483647> : vector<128xi32>
      %reduce_min3A_394 = vector.multi_reduction <minsi>, %select_n3A_392, %reduce_min3A_393 [0] : vector<256x128xi32> to vector<128xi32>
      %broadcast_in_dim3A_395 = vector.shape_cast %reduce_min3A_394 : vector<128xi32> to vector<1x128xi32>
      %lt3A_396 = vector.broadcast %broadcast_in_dim3A_387 : vector<1x128xf32> to vector<256x128xf32>
      %lt3A_397 = arith.cmpf olt, %max3A_23, %lt3A_396 : vector<256x128xf32>
      %eq3A_398 = vector.broadcast %broadcast_in_dim3A_387 : vector<1x128xf32> to vector<256x128xf32>
      %eq3A_399 = arith.cmpf oeq, %max3A_23, %eq3A_398 : vector<256x128xf32>
      %gt3A_400 = vector.broadcast %broadcast_in_dim3A_395 : vector<1x128xi32> to vector<256x128xi32>
      %gt3A_401 = arith.cmpi sgt, %iota3A, %gt3A_400 : vector<256x128xi32>
      %and3A_402 = arith.andi %eq3A_399, %gt3A_401 : vector<256x128xi1>
      %or3A_403 = arith.ori %lt3A_397, %and3A_402 : vector<256x128xi1>
      %jit3A_404 = arith.constant -1.000000e+00 : f32
      %broadcast_in_dim3A_405 = vector.broadcast %jit3A_404 : f32 to vector<256x128xf32>
      %select_n3A_406 = arith.select %or3A_403, %max3A_23, %broadcast_in_dim3A_405 : vector<256x128xi1>, vector<256x128xf32>
      %reduce_max3A_407 = arith.constant dense<0xFF800000> : vector<128xf32>
      %reduce_max3A_408 = vector.multi_reduction <maximumf>, %select_n3A_406, %reduce_max3A_407 [0] : vector<256x128xf32> to vector<128xf32>
      %broadcast_in_dim3A_409 = vector.shape_cast %reduce_max3A_408 : vector<128xf32> to vector<1x128xf32>
      %eq3A_410 = vector.broadcast %broadcast_in_dim3A_409 : vector<1x128xf32> to vector<256x128xf32>
      %eq3A_411 = arith.cmpf oeq, %select_n3A_406, %eq3A_410 : vector<256x128xf32>
      %jit3A_412 = arith.constant 1073741824 : i32
      %broadcast_in_dim3A_413 = vector.broadcast %jit3A_412 : i32 to vector<256x128xi32>
      %select_n3A_414 = arith.select %eq3A_411, %iota3A, %broadcast_in_dim3A_413 : vector<256x128xi1>, vector<256x128xi32>
      %reduce_min3A_415 = arith.constant dense<2147483647> : vector<128xi32>
      %reduce_min3A_416 = vector.multi_reduction <minsi>, %select_n3A_414, %reduce_min3A_415 [0] : vector<256x128xi32> to vector<128xi32>
      %broadcast_in_dim3A_417 = vector.shape_cast %reduce_min3A_416 : vector<128xi32> to vector<1x128xi32>
      %lt3A_418 = vector.broadcast %broadcast_in_dim3A_409 : vector<1x128xf32> to vector<256x128xf32>
      %lt3A_419 = arith.cmpf olt, %max3A_23, %lt3A_418 : vector<256x128xf32>
      %eq3A_420 = vector.broadcast %broadcast_in_dim3A_409 : vector<1x128xf32> to vector<256x128xf32>
      %eq3A_421 = arith.cmpf oeq, %max3A_23, %eq3A_420 : vector<256x128xf32>
      %gt3A_422 = vector.broadcast %broadcast_in_dim3A_417 : vector<1x128xi32> to vector<256x128xi32>
      %gt3A_423 = arith.cmpi sgt, %iota3A, %gt3A_422 : vector<256x128xi32>
      %and3A_424 = arith.andi %eq3A_421, %gt3A_423 : vector<256x128xi1>
      %or3A_425 = arith.ori %lt3A_419, %and3A_424 : vector<256x128xi1>
      %jit3A_426 = arith.constant -1.000000e+00 : f32
      %broadcast_in_dim3A_427 = vector.broadcast %jit3A_426 : f32 to vector<256x128xf32>
      %select_n3A_428 = arith.select %or3A_425, %max3A_23, %broadcast_in_dim3A_427 : vector<256x128xi1>, vector<256x128xf32>
      %reduce_max3A_429 = arith.constant dense<0xFF800000> : vector<128xf32>
      %reduce_max3A_430 = vector.multi_reduction <maximumf>, %select_n3A_428, %reduce_max3A_429 [0] : vector<256x128xf32> to vector<128xf32>
      %broadcast_in_dim3A_431 = vector.shape_cast %reduce_max3A_430 : vector<128xf32> to vector<1x128xf32>
      %eq3A_432 = vector.broadcast %broadcast_in_dim3A_431 : vector<1x128xf32> to vector<256x128xf32>
      %eq3A_433 = arith.cmpf oeq, %select_n3A_428, %eq3A_432 : vector<256x128xf32>
      %jit3A_434 = arith.constant 1073741824 : i32
      %broadcast_in_dim3A_435 = vector.broadcast %jit3A_434 : i32 to vector<256x128xi32>
      %select_n3A_436 = arith.select %eq3A_433, %iota3A, %broadcast_in_dim3A_435 : vector<256x128xi1>, vector<256x128xi32>
      %reduce_min3A_437 = arith.constant dense<2147483647> : vector<128xi32>
      %reduce_min3A_438 = vector.multi_reduction <minsi>, %select_n3A_436, %reduce_min3A_437 [0] : vector<256x128xi32> to vector<128xi32>
      %broadcast_in_dim3A_439 = vector.shape_cast %reduce_min3A_438 : vector<128xi32> to vector<1x128xi32>
      %lt3A_440 = vector.broadcast %broadcast_in_dim3A_431 : vector<1x128xf32> to vector<256x128xf32>
      %lt3A_441 = arith.cmpf olt, %max3A_23, %lt3A_440 : vector<256x128xf32>
      %eq3A_442 = vector.broadcast %broadcast_in_dim3A_431 : vector<1x128xf32> to vector<256x128xf32>
      %eq3A_443 = arith.cmpf oeq, %max3A_23, %eq3A_442 : vector<256x128xf32>
      %gt3A_444 = vector.broadcast %broadcast_in_dim3A_439 : vector<1x128xi32> to vector<256x128xi32>
      %gt3A_445 = arith.cmpi sgt, %iota3A, %gt3A_444 : vector<256x128xi32>
      %and3A_446 = arith.andi %eq3A_443, %gt3A_445 : vector<256x128xi1>
      %or3A_447 = arith.ori %lt3A_441, %and3A_446 : vector<256x128xi1>
      %jit3A_448 = arith.constant -1.000000e+00 : f32
      %broadcast_in_dim3A_449 = vector.broadcast %jit3A_448 : f32 to vector<256x128xf32>
      %select_n3A_450 = arith.select %or3A_447, %max3A_23, %broadcast_in_dim3A_449 : vector<256x128xi1>, vector<256x128xf32>
      %reduce_max3A_451 = arith.constant dense<0xFF800000> : vector<128xf32>
      %reduce_max3A_452 = vector.multi_reduction <maximumf>, %select_n3A_450, %reduce_max3A_451 [0] : vector<256x128xf32> to vector<128xf32>
      %broadcast_in_dim3A_453 = vector.shape_cast %reduce_max3A_452 : vector<128xf32> to vector<1x128xf32>
      %eq3A_454 = vector.broadcast %broadcast_in_dim3A_453 : vector<1x128xf32> to vector<256x128xf32>
      %eq3A_455 = arith.cmpf oeq, %select_n3A_450, %eq3A_454 : vector<256x128xf32>
      %jit3A_456 = arith.constant 1073741824 : i32
      %broadcast_in_dim3A_457 = vector.broadcast %jit3A_456 : i32 to vector<256x128xi32>
      %select_n3A_458 = arith.select %eq3A_455, %iota3A, %broadcast_in_dim3A_457 : vector<256x128xi1>, vector<256x128xi32>
      %reduce_min3A_459 = arith.constant dense<2147483647> : vector<128xi32>
      %reduce_min3A_460 = vector.multi_reduction <minsi>, %select_n3A_458, %reduce_min3A_459 [0] : vector<256x128xi32> to vector<128xi32>
      %broadcast_in_dim3A_461 = vector.shape_cast %reduce_min3A_460 : vector<128xi32> to vector<1x128xi32>
      %concatenate3A = tpu.concatenate %broadcast_in_dim3A, %broadcast_in_dim3A_57, %broadcast_in_dim3A_79, %broadcast_in_dim3A_101, %broadcast_in_dim3A_123, %broadcast_in_dim3A_145, %broadcast_in_dim3A_167, %broadcast_in_dim3A_189, %broadcast_in_dim3A_211, %broadcast_in_dim3A_233, %broadcast_in_dim3A_255, %broadcast_in_dim3A_277, %broadcast_in_dim3A_299, %broadcast_in_dim3A_321, %broadcast_in_dim3A_343, %broadcast_in_dim3A_365, %broadcast_in_dim3A_387, %broadcast_in_dim3A_409, %broadcast_in_dim3A_431, %broadcast_in_dim3A_453 in 0 : vector<1x128xf32>, vector<1x128xf32>, vector<1x128xf32>, vector<1x128xf32>, vector<1x128xf32>, vector<1x128xf32>, vector<1x128xf32>, vector<1x128xf32>, vector<1x128xf32>, vector<1x128xf32>, vector<1x128xf32>, vector<1x128xf32>, vector<1x128xf32>, vector<1x128xf32>, vector<1x128xf32>, vector<1x128xf32>, vector<1x128xf32>, vector<1x128xf32>, vector<1x128xf32>, vector<1x128xf32> -> vector<20x128xf32>
      %concatenate3A_462 = tpu.concatenate %broadcast_in_dim3A_47, %broadcast_in_dim3A_65, %broadcast_in_dim3A_87, %broadcast_in_dim3A_109, %broadcast_in_dim3A_131, %broadcast_in_dim3A_153, %broadcast_in_dim3A_175, %broadcast_in_dim3A_197, %broadcast_in_dim3A_219, %broadcast_in_dim3A_241, %broadcast_in_dim3A_263, %broadcast_in_dim3A_285, %broadcast_in_dim3A_307, %broadcast_in_dim3A_329, %broadcast_in_dim3A_351, %broadcast_in_dim3A_373, %broadcast_in_dim3A_395, %broadcast_in_dim3A_417, %broadcast_in_dim3A_439, %broadcast_in_dim3A_461 in 0 : vector<1x128xi32>, vector<1x128xi32>, vector<1x128xi32>, vector<1x128xi32>, vector<1x128xi32>, vector<1x128xi32>, vector<1x128xi32>, vector<1x128xi32>, vector<1x128xi32>, vector<1x128xi32>, vector<1x128xi32>, vector<1x128xi32>, vector<1x128xi32>, vector<1x128xi32>, vector<1x128xi32>, vector<1x128xi32>, vector<1x128xi32>, vector<1x128xi32>, vector<1x128xi32>, vector<1x128xi32> -> vector<20x128xi32>
      %broadcast_in_dim3A_463 = vector.shape_cast %concatenate3A_462 : vector<20x128xi32> to vector<20x1x128xi32>
      %broadcast_in_dim3A_464 = vector.shape_cast %concatenate3A_462 : vector<20x128xi32> to vector<1x20x128xi32>
      %lt3A_465 = vector.broadcast %broadcast_in_dim3A_463 : vector<20x1x128xi32> to vector<20x20x128xi32>
      %lt3A_466 = vector.broadcast %broadcast_in_dim3A_464 : vector<1x20x128xi32> to vector<20x20x128xi32>
      %lt3A_467 = arith.cmpi slt, %lt3A_465, %lt3A_466 : vector<20x20x128xi32>
      %convert_element_type3A_468 = arith.extui %lt3A_467 : vector<20x20x128xi1> to vector<20x20x128xi32>
      %reduce_sum3A_469 = arith.constant dense<0> : vector<20x128xi32>
      %reduce_sum3A_470 = vector.multi_reduction <add>, %convert_element_type3A_468, %reduce_sum3A_469 [0] : vector<20x20x128xi32> to vector<20x128xi32>
      %iota3A_471 = tpu.iota {dimensions = array<i32: 0>} : vector<20x20x1xi32>
      %broadcast_in_dim3A_472 = vector.shape_cast %reduce_sum3A_470 : vector<20x128xi32> to vector<1x20x128xi32>
      %eq3A_473 = vector.broadcast %broadcast_in_dim3A_472 : vector<1x20x128xi32> to vector<20x20x128xi32>
      %eq3A_474 = vector.broadcast %iota3A_471 : vector<20x20x1xi32> to vector<20x20x128xi32>
      %eq3A_475 = arith.cmpi eq, %eq3A_473, %eq3A_474 : vector<20x20x128xi32>
      %broadcast_in_dim3A_476 = vector.shape_cast %concatenate3A : vector<20x128xf32> to vector<1x20x128xf32>
      %jit3A_477 = arith.constant 0.000000e+00 : f32
      %broadcast_in_dim3A_478 = vector.shape_cast %broadcast_in_dim3A_476 : vector<1x20x128xf32> to vector<1x20x128xf32>
      %broadcast_in_dim3A_479 = vector.broadcast %broadcast_in_dim3A_478 : vector<1x20x128xf32> to vector<20x20x128xf32>
      %broadcast_in_dim3A_480 = vector.broadcast %jit3A_477 : f32 to vector<20x20x128xf32>
      %select_n3A_481 = arith.select %eq3A_475, %broadcast_in_dim3A_479, %broadcast_in_dim3A_480 : vector<20x20x128xi1>, vector<20x20x128xf32>
      %reduce_sum3A_482 = arith.constant dense<0.000000e+00> : vector<20x128xf32>
      %reduce_sum3A_483 = vector.multi_reduction <add>, %select_n3A_481, %reduce_sum3A_482 [1] : vector<20x20x128xf32> to vector<20x128xf32>
      %swap3A = arith.constant 0 : index
      %swap3A_484 = arith.constant 0 : index
      %swap3A_485 = vector.load %arg5[%swap3A, %swap3A_484] : memref<20x128xf32, #tpu.memory_space<vmem>>, vector<20x128xf32>
      tpu.vector_store %arg5[%swap3A, %swap3A_484], %reduce_sum3A_483 {strides = array<i32>} : memref<20x128xf32, #tpu.memory_space<vmem>>, vector<20x128xf32>,
      %broadcast_in_dim3A_486 = vector.shape_cast %concatenate3A_462 : vector<20x128xi32> to vector<1x20x128xi32>
      %jit3A_487 = arith.constant 0 : i32
      %broadcast_in_dim3A_488 = vector.shape_cast %broadcast_in_dim3A_486 : vector<1x20x128xi32> to vector<1x20x128xi32>
      %broadcast_in_dim3A_489 = vector.broadcast %broadcast_in_dim3A_488 : vector<1x20x128xi32> to vector<20x20x128xi32>
      %broadcast_in_dim3A_490 = vector.broadcast %jit3A_487 : i32 to vector<20x20x128xi32>
      %select_n3A_491 = arith.select %eq3A_475, %broadcast_in_dim3A_489, %broadcast_in_dim3A_490 : vector<20x20x128xi1>, vector<20x20x128xi32>
      %reduce_sum3A_492 = arith.constant dense<0> : vector<20x128xi32>
      %reduce_sum3A_493 = vector.multi_reduction <add>, %select_n3A_491, %reduce_sum3A_492 [1] : vector<20x20x128xi32> to vector<20x128xi32>
      %swap3A_494 = arith.constant 0 : index
      %swap3A_495 = arith.constant 0 : index
      %swap3A_496 = vector.load %arg6[%swap3A_494, %swap3A_495] : memref<20x128xi32, #tpu.memory_space<vmem>>, vector<20x128xi32>
      tpu.vector_store %arg6[%swap3A_494, %swap3A_495], %reduce_sum3A_493 {strides = array<i32>} : memref<20x128xi32, #tpu.memory_space<vmem>>, vector<20x128xi32>,
    } else {
    }
    %not3A = arith.constant true
    %not3A_37 = arith.xori %ge3A_33, %not3A : i1
    %convert_element_type3A_38 = arith.extui %not3A_37 : i1 to i32
    %cond3A_39 = arith.constant 0 : i32
    %cond3A_40 = arith.cmpi ne, %convert_element_type3A_38, %cond3A_39 : i32
    scf.if %cond3A_40 {
      %get3A_41 = arith.constant 0 : index
      %get3A_42 = arith.constant 0 : index
      %get3A_43 = vector.load %arg7[%get3A_41, %get3A_42] : memref<10112x32xf32, #tpu.memory_space<vmem>>, vector<10000x32xf32>
      %get3A_44 = arith.constant 0 : index
      %get3A_45 = arith.constant 0 : index
      %get3A_46 = vector.load %arg8[%get3A_44, %get3A_45] : memref<10112x32xf32, #tpu.memory_space<vmem>>, vector<10000x32xf32>
      %dot_general3A_47 = arith.constant dense<0.000000e+00> : vector<10000x128xf32>
      %dot_general3A_48 = tpu.matmul %get3A_46, %get3A_4, %dot_general3A_47 {dimension_numbers = #tpu.dot_dimension_numbers<[1], [1], [0], [0], [0, 0, 1, 0], [], []>, transpose_lhs_hint = false} : vector<10000x32xf32>, vector<128x32xf32>, vector<10000x128xf32> -> vector<10000x128xf32>
      %dot_general3A_49 = arith.constant dense<0.000000e+00> : vector<10000x128xf32>
      %dot_general3A_50 = tpu.matmul %get3A_43, %get3A_9, %dot_general3A_49 {dimension_numbers = #tpu.dot_dimension_numbers<[1], [1], [0], [0], [0, 0, 1, 0], [], []>, transpose_lhs_hint = false} : vector<10000x32xf32>, vector<128x32xf32>, vector<10000x128xf32> -> vector<10000x128xf32>
      %sub3A_51 = arith.subf %dot_general3A_48, %dot_general3A_50 : vector<10000x128xf32>
      %mul3A_52 = arith.constant 3.000000e+00 : f32
      %mul3A_53 = vector.broadcast %mul3A_52 : f32 to vector<10000x128xf32>
      %mul3A_54 = arith.mulf %mul3A_53, %sub3A_51 : vector<10000x128xf32>
      %tanh3A_55 = math.tanh %mul3A_54 : vector<10000x128xf32>
      %max3A_56 = arith.constant 0.000000e+00 : f32
      %max3A_57 = vector.broadcast %max3A_56 : f32 to vector<10000x128xf32>
      %max3A_58 = arith.maximumf %tanh3A_55, %max3A_57 : vector<10000x128xf32>
      %iota3A = tpu.iota {dimensions = array<i32: 0>} : vector<10000x128xi32>
      %reduce_max3A = arith.constant dense<0xFF800000> : vector<128xf32>
      %reduce_max3A_59 = vector.multi_reduction <maximumf>, %max3A_58, %reduce_max3A [0] : vector<10000x128xf32> to vector<128xf32>
      %broadcast_in_dim3A = vector.shape_cast %reduce_max3A_59 : vector<128xf32> to vector<1x128xf32>
      %eq3A_60 = vector.broadcast %broadcast_in_dim3A : vector<1x128xf32> to vector<10000x128xf32>
      %eq3A_61 = arith.cmpf oeq, %max3A_58, %eq3A_60 : vector<10000x128xf32>
      %jit3A = arith.constant 1073741824 : i32
      %broadcast_in_dim3A_62 = vector.broadcast %jit3A : i32 to vector<10000x128xi32>
      %select_n3A = arith.select %eq3A_61, %iota3A, %broadcast_in_dim3A_62 : vector<10000x128xi1>, vector<10000x128xi32>
      %reduce_min3A_63 = arith.constant dense<2147483647> : vector<128xi32>
      %reduce_min3A_64 = vector.multi_reduction <minsi>, %select_n3A, %reduce_min3A_63 [0] : vector<10000x128xi32> to vector<128xi32>
      %broadcast_in_dim3A_65 = vector.shape_cast %reduce_min3A_64 : vector<128xi32> to vector<1x128xi32>
      %lt3A = vector.broadcast %broadcast_in_dim3A : vector<1x128xf32> to vector<10000x128xf32>
      %lt3A_66 = arith.cmpf olt, %max3A_58, %lt3A : vector<10000x128xf32>
      %eq3A_67 = vector.broadcast %broadcast_in_dim3A : vector<1x128xf32> to vector<10000x128xf32>
      %eq3A_68 = arith.cmpf oeq, %max3A_58, %eq3A_67 : vector<10000x128xf32>
      %gt3A = vector.broadcast %broadcast_in_dim3A_65 : vector<1x128xi32> to vector<10000x128xi32>
      %gt3A_69 = arith.cmpi sgt, %iota3A, %gt3A : vector<10000x128xi32>
      %and3A = arith.andi %eq3A_68, %gt3A_69 : vector<10000x128xi1>
      %or3A = arith.ori %lt3A_66, %and3A : vector<10000x128xi1>
      %jit3A_70 = arith.constant -1.000000e+00 : f32
      %broadcast_in_dim3A_71 = vector.broadcast %jit3A_70 : f32 to vector<10000x128xf32>
      %select_n3A_72 = arith.select %or3A, %max3A_58, %broadcast_in_dim3A_71 : vector<10000x128xi1>, vector<10000x128xf32>
      %reduce_max3A_73 = arith.constant dense<0xFF800000> : vector<128xf32>
      %reduce_max3A_74 = vector.multi_reduction <maximumf>, %select_n3A_72, %reduce_max3A_73 [0] : vector<10000x128xf32> to vector<128xf32>
      %broadcast_in_dim3A_75 = vector.shape_cast %reduce_max3A_74 : vector<128xf32> to vector<1x128xf32>
      %eq3A_76 = vector.broadcast %broadcast_in_dim3A_75 : vector<1x128xf32> to vector<10000x128xf32>
      %eq3A_77 = arith.cmpf oeq, %select_n3A_72, %eq3A_76 : vector<10000x128xf32>
      %jit3A_78 = arith.constant 1073741824 : i32
      %broadcast_in_dim3A_79 = vector.broadcast %jit3A_78 : i32 to vector<10000x128xi32>
      %select_n3A_80 = arith.select %eq3A_77, %iota3A, %broadcast_in_dim3A_79 : vector<10000x128xi1>, vector<10000x128xi32>
      %reduce_min3A_81 = arith.constant dense<2147483647> : vector<128xi32>
      %reduce_min3A_82 = vector.multi_reduction <minsi>, %select_n3A_80, %reduce_min3A_81 [0] : vector<10000x128xi32> to vector<128xi32>
      %broadcast_in_dim3A_83 = vector.shape_cast %reduce_min3A_82 : vector<128xi32> to vector<1x128xi32>
      %lt3A_84 = vector.broadcast %broadcast_in_dim3A_75 : vector<1x128xf32> to vector<10000x128xf32>
      %lt3A_85 = arith.cmpf olt, %max3A_58, %lt3A_84 : vector<10000x128xf32>
      %eq3A_86 = vector.broadcast %broadcast_in_dim3A_75 : vector<1x128xf32> to vector<10000x128xf32>
      %eq3A_87 = arith.cmpf oeq, %max3A_58, %eq3A_86 : vector<10000x128xf32>
      %gt3A_88 = vector.broadcast %broadcast_in_dim3A_83 : vector<1x128xi32> to vector<10000x128xi32>
      %gt3A_89 = arith.cmpi sgt, %iota3A, %gt3A_88 : vector<10000x128xi32>
      %and3A_90 = arith.andi %eq3A_87, %gt3A_89 : vector<10000x128xi1>
      %or3A_91 = arith.ori %lt3A_85, %and3A_90 : vector<10000x128xi1>
      %jit3A_92 = arith.constant -1.000000e+00 : f32
      %broadcast_in_dim3A_93 = vector.broadcast %jit3A_92 : f32 to vector<10000x128xf32>
      %select_n3A_94 = arith.select %or3A_91, %max3A_58, %broadcast_in_dim3A_93 : vector<10000x128xi1>, vector<10000x128xf32>
      %reduce_max3A_95 = arith.constant dense<0xFF800000> : vector<128xf32>
      %reduce_max3A_96 = vector.multi_reduction <maximumf>, %select_n3A_94, %reduce_max3A_95 [0] : vector<10000x128xf32> to vector<128xf32>
      %broadcast_in_dim3A_97 = vector.shape_cast %reduce_max3A_96 : vector<128xf32> to vector<1x128xf32>
      %eq3A_98 = vector.broadcast %broadcast_in_dim3A_97 : vector<1x128xf32> to vector<10000x128xf32>
      %eq3A_99 = arith.cmpf oeq, %select_n3A_94, %eq3A_98 : vector<10000x128xf32>
      %jit3A_100 = arith.constant 1073741824 : i32
      %broadcast_in_dim3A_101 = vector.broadcast %jit3A_100 : i32 to vector<10000x128xi32>
      %select_n3A_102 = arith.select %eq3A_99, %iota3A, %broadcast_in_dim3A_101 : vector<10000x128xi1>, vector<10000x128xi32>
      %reduce_min3A_103 = arith.constant dense<2147483647> : vector<128xi32>
      %reduce_min3A_104 = vector.multi_reduction <minsi>, %select_n3A_102, %reduce_min3A_103 [0] : vector<10000x128xi32> to vector<128xi32>
      %broadcast_in_dim3A_105 = vector.shape_cast %reduce_min3A_104 : vector<128xi32> to vector<1x128xi32>
      %lt3A_106 = vector.broadcast %broadcast_in_dim3A_97 : vector<1x128xf32> to vector<10000x128xf32>
      %lt3A_107 = arith.cmpf olt, %max3A_58, %lt3A_106 : vector<10000x128xf32>
      %eq3A_108 = vector.broadcast %broadcast_in_dim3A_97 : vector<1x128xf32> to vector<10000x128xf32>
      %eq3A_109 = arith.cmpf oeq, %max3A_58, %eq3A_108 : vector<10000x128xf32>
      %gt3A_110 = vector.broadcast %broadcast_in_dim3A_105 : vector<1x128xi32> to vector<10000x128xi32>
      %gt3A_111 = arith.cmpi sgt, %iota3A, %gt3A_110 : vector<10000x128xi32>
      %and3A_112 = arith.andi %eq3A_109, %gt3A_111 : vector<10000x128xi1>
      %or3A_113 = arith.ori %lt3A_107, %and3A_112 : vector<10000x128xi1>
      %jit3A_114 = arith.constant -1.000000e+00 : f32
      %broadcast_in_dim3A_115 = vector.broadcast %jit3A_114 : f32 to vector<10000x128xf32>
      %select_n3A_116 = arith.select %or3A_113, %max3A_58, %broadcast_in_dim3A_115 : vector<10000x128xi1>, vector<10000x128xf32>
      %reduce_max3A_117 = arith.constant dense<0xFF800000> : vector<128xf32>
      %reduce_max3A_118 = vector.multi_reduction <maximumf>, %select_n3A_116, %reduce_max3A_117 [0] : vector<10000x128xf32> to vector<128xf32>
      %broadcast_in_dim3A_119 = vector.shape_cast %reduce_max3A_118 : vector<128xf32> to vector<1x128xf32>
      %eq3A_120 = vector.broadcast %broadcast_in_dim3A_119 : vector<1x128xf32> to vector<10000x128xf32>
      %eq3A_121 = arith.cmpf oeq, %select_n3A_116, %eq3A_120 : vector<10000x128xf32>
      %jit3A_122 = arith.constant 1073741824 : i32
      %broadcast_in_dim3A_123 = vector.broadcast %jit3A_122 : i32 to vector<10000x128xi32>
      %select_n3A_124 = arith.select %eq3A_121, %iota3A, %broadcast_in_dim3A_123 : vector<10000x128xi1>, vector<10000x128xi32>
      %reduce_min3A_125 = arith.constant dense<2147483647> : vector<128xi32>
      %reduce_min3A_126 = vector.multi_reduction <minsi>, %select_n3A_124, %reduce_min3A_125 [0] : vector<10000x128xi32> to vector<128xi32>
      %broadcast_in_dim3A_127 = vector.shape_cast %reduce_min3A_126 : vector<128xi32> to vector<1x128xi32>
      %lt3A_128 = vector.broadcast %broadcast_in_dim3A_119 : vector<1x128xf32> to vector<10000x128xf32>
      %lt3A_129 = arith.cmpf olt, %max3A_58, %lt3A_128 : vector<10000x128xf32>
      %eq3A_130 = vector.broadcast %broadcast_in_dim3A_119 : vector<1x128xf32> to vector<10000x128xf32>
      %eq3A_131 = arith.cmpf oeq, %max3A_58, %eq3A_130 : vector<10000x128xf32>
      %gt3A_132 = vector.broadcast %broadcast_in_dim3A_127 : vector<1x128xi32> to vector<10000x128xi32>
      %gt3A_133 = arith.cmpi sgt, %iota3A, %gt3A_132 : vector<10000x128xi32>
      %and3A_134 = arith.andi %eq3A_131, %gt3A_133 : vector<10000x128xi1>
      %or3A_135 = arith.ori %lt3A_129, %and3A_134 : vector<10000x128xi1>
      %jit3A_136 = arith.constant -1.000000e+00 : f32
      %broadcast_in_dim3A_137 = vector.broadcast %jit3A_136 : f32 to vector<10000x128xf32>
      %select_n3A_138 = arith.select %or3A_135, %max3A_58, %broadcast_in_dim3A_137 : vector<10000x128xi1>, vector<10000x128xf32>
      %reduce_max3A_139 = arith.constant dense<0xFF800000> : vector<128xf32>
      %reduce_max3A_140 = vector.multi_reduction <maximumf>, %select_n3A_138, %reduce_max3A_139 [0] : vector<10000x128xf32> to vector<128xf32>
      %broadcast_in_dim3A_141 = vector.shape_cast %reduce_max3A_140 : vector<128xf32> to vector<1x128xf32>
      %eq3A_142 = vector.broadcast %broadcast_in_dim3A_141 : vector<1x128xf32> to vector<10000x128xf32>
      %eq3A_143 = arith.cmpf oeq, %select_n3A_138, %eq3A_142 : vector<10000x128xf32>
      %jit3A_144 = arith.constant 1073741824 : i32
      %broadcast_in_dim3A_145 = vector.broadcast %jit3A_144 : i32 to vector<10000x128xi32>
      %select_n3A_146 = arith.select %eq3A_143, %iota3A, %broadcast_in_dim3A_145 : vector<10000x128xi1>, vector<10000x128xi32>
      %reduce_min3A_147 = arith.constant dense<2147483647> : vector<128xi32>
      %reduce_min3A_148 = vector.multi_reduction <minsi>, %select_n3A_146, %reduce_min3A_147 [0] : vector<10000x128xi32> to vector<128xi32>
      %broadcast_in_dim3A_149 = vector.shape_cast %reduce_min3A_148 : vector<128xi32> to vector<1x128xi32>
      %lt3A_150 = vector.broadcast %broadcast_in_dim3A_141 : vector<1x128xf32> to vector<10000x128xf32>
      %lt3A_151 = arith.cmpf olt, %max3A_58, %lt3A_150 : vector<10000x128xf32>
      %eq3A_152 = vector.broadcast %broadcast_in_dim3A_141 : vector<1x128xf32> to vector<10000x128xf32>
      %eq3A_153 = arith.cmpf oeq, %max3A_58, %eq3A_152 : vector<10000x128xf32>
      %gt3A_154 = vector.broadcast %broadcast_in_dim3A_149 : vector<1x128xi32> to vector<10000x128xi32>
      %gt3A_155 = arith.cmpi sgt, %iota3A, %gt3A_154 : vector<10000x128xi32>
      %and3A_156 = arith.andi %eq3A_153, %gt3A_155 : vector<10000x128xi1>
      %or3A_157 = arith.ori %lt3A_151, %and3A_156 : vector<10000x128xi1>
      %jit3A_158 = arith.constant -1.000000e+00 : f32
      %broadcast_in_dim3A_159 = vector.broadcast %jit3A_158 : f32 to vector<10000x128xf32>
      %select_n3A_160 = arith.select %or3A_157, %max3A_58, %broadcast_in_dim3A_159 : vector<10000x128xi1>, vector<10000x128xf32>
      %reduce_max3A_161 = arith.constant dense<0xFF800000> : vector<128xf32>
      %reduce_max3A_162 = vector.multi_reduction <maximumf>, %select_n3A_160, %reduce_max3A_161 [0] : vector<10000x128xf32> to vector<128xf32>
      %broadcast_in_dim3A_163 = vector.shape_cast %reduce_max3A_162 : vector<128xf32> to vector<1x128xf32>
      %eq3A_164 = vector.broadcast %broadcast_in_dim3A_163 : vector<1x128xf32> to vector<10000x128xf32>
      %eq3A_165 = arith.cmpf oeq, %select_n3A_160, %eq3A_164 : vector<10000x128xf32>
      %jit3A_166 = arith.constant 1073741824 : i32
      %broadcast_in_dim3A_167 = vector.broadcast %jit3A_166 : i32 to vector<10000x128xi32>
      %select_n3A_168 = arith.select %eq3A_165, %iota3A, %broadcast_in_dim3A_167 : vector<10000x128xi1>, vector<10000x128xi32>
      %reduce_min3A_169 = arith.constant dense<2147483647> : vector<128xi32>
      %reduce_min3A_170 = vector.multi_reduction <minsi>, %select_n3A_168, %reduce_min3A_169 [0] : vector<10000x128xi32> to vector<128xi32>
      %broadcast_in_dim3A_171 = vector.shape_cast %reduce_min3A_170 : vector<128xi32> to vector<1x128xi32>
      %lt3A_172 = vector.broadcast %broadcast_in_dim3A_163 : vector<1x128xf32> to vector<10000x128xf32>
      %lt3A_173 = arith.cmpf olt, %max3A_58, %lt3A_172 : vector<10000x128xf32>
      %eq3A_174 = vector.broadcast %broadcast_in_dim3A_163 : vector<1x128xf32> to vector<10000x128xf32>
      %eq3A_175 = arith.cmpf oeq, %max3A_58, %eq3A_174 : vector<10000x128xf32>
      %gt3A_176 = vector.broadcast %broadcast_in_dim3A_171 : vector<1x128xi32> to vector<10000x128xi32>
      %gt3A_177 = arith.cmpi sgt, %iota3A, %gt3A_176 : vector<10000x128xi32>
      %and3A_178 = arith.andi %eq3A_175, %gt3A_177 : vector<10000x128xi1>
      %or3A_179 = arith.ori %lt3A_173, %and3A_178 : vector<10000x128xi1>
      %jit3A_180 = arith.constant -1.000000e+00 : f32
      %broadcast_in_dim3A_181 = vector.broadcast %jit3A_180 : f32 to vector<10000x128xf32>
      %select_n3A_182 = arith.select %or3A_179, %max3A_58, %broadcast_in_dim3A_181 : vector<10000x128xi1>, vector<10000x128xf32>
      %reduce_max3A_183 = arith.constant dense<0xFF800000> : vector<128xf32>
      %reduce_max3A_184 = vector.multi_reduction <maximumf>, %select_n3A_182, %reduce_max3A_183 [0] : vector<10000x128xf32> to vector<128xf32>
      %broadcast_in_dim3A_185 = vector.shape_cast %reduce_max3A_184 : vector<128xf32> to vector<1x128xf32>
      %eq3A_186 = vector.broadcast %broadcast_in_dim3A_185 : vector<1x128xf32> to vector<10000x128xf32>
      %eq3A_187 = arith.cmpf oeq, %select_n3A_182, %eq3A_186 : vector<10000x128xf32>
      %jit3A_188 = arith.constant 1073741824 : i32
      %broadcast_in_dim3A_189 = vector.broadcast %jit3A_188 : i32 to vector<10000x128xi32>
      %select_n3A_190 = arith.select %eq3A_187, %iota3A, %broadcast_in_dim3A_189 : vector<10000x128xi1>, vector<10000x128xi32>
      %reduce_min3A_191 = arith.constant dense<2147483647> : vector<128xi32>
      %reduce_min3A_192 = vector.multi_reduction <minsi>, %select_n3A_190, %reduce_min3A_191 [0] : vector<10000x128xi32> to vector<128xi32>
      %broadcast_in_dim3A_193 = vector.shape_cast %reduce_min3A_192 : vector<128xi32> to vector<1x128xi32>
      %lt3A_194 = vector.broadcast %broadcast_in_dim3A_185 : vector<1x128xf32> to vector<10000x128xf32>
      %lt3A_195 = arith.cmpf olt, %max3A_58, %lt3A_194 : vector<10000x128xf32>
      %eq3A_196 = vector.broadcast %broadcast_in_dim3A_185 : vector<1x128xf32> to vector<10000x128xf32>
      %eq3A_197 = arith.cmpf oeq, %max3A_58, %eq3A_196 : vector<10000x128xf32>
      %gt3A_198 = vector.broadcast %broadcast_in_dim3A_193 : vector<1x128xi32> to vector<10000x128xi32>
      %gt3A_199 = arith.cmpi sgt, %iota3A, %gt3A_198 : vector<10000x128xi32>
      %and3A_200 = arith.andi %eq3A_197, %gt3A_199 : vector<10000x128xi1>
      %or3A_201 = arith.ori %lt3A_195, %and3A_200 : vector<10000x128xi1>
      %jit3A_202 = arith.constant -1.000000e+00 : f32
      %broadcast_in_dim3A_203 = vector.broadcast %jit3A_202 : f32 to vector<10000x128xf32>
      %select_n3A_204 = arith.select %or3A_201, %max3A_58, %broadcast_in_dim3A_203 : vector<10000x128xi1>, vector<10000x128xf32>
      %reduce_max3A_205 = arith.constant dense<0xFF800000> : vector<128xf32>
      %reduce_max3A_206 = vector.multi_reduction <maximumf>, %select_n3A_204, %reduce_max3A_205 [0] : vector<10000x128xf32> to vector<128xf32>
      %broadcast_in_dim3A_207 = vector.shape_cast %reduce_max3A_206 : vector<128xf32> to vector<1x128xf32>
      %eq3A_208 = vector.broadcast %broadcast_in_dim3A_207 : vector<1x128xf32> to vector<10000x128xf32>
      %eq3A_209 = arith.cmpf oeq, %select_n3A_204, %eq3A_208 : vector<10000x128xf32>
      %jit3A_210 = arith.constant 1073741824 : i32
      %broadcast_in_dim3A_211 = vector.broadcast %jit3A_210 : i32 to vector<10000x128xi32>
      %select_n3A_212 = arith.select %eq3A_209, %iota3A, %broadcast_in_dim3A_211 : vector<10000x128xi1>, vector<10000x128xi32>
      %reduce_min3A_213 = arith.constant dense<2147483647> : vector<128xi32>
      %reduce_min3A_214 = vector.multi_reduction <minsi>, %select_n3A_212, %reduce_min3A_213 [0] : vector<10000x128xi32> to vector<128xi32>
      %broadcast_in_dim3A_215 = vector.shape_cast %reduce_min3A_214 : vector<128xi32> to vector<1x128xi32>
      %lt3A_216 = vector.broadcast %broadcast_in_dim3A_207 : vector<1x128xf32> to vector<10000x128xf32>
      %lt3A_217 = arith.cmpf olt, %max3A_58, %lt3A_216 : vector<10000x128xf32>
      %eq3A_218 = vector.broadcast %broadcast_in_dim3A_207 : vector<1x128xf32> to vector<10000x128xf32>
      %eq3A_219 = arith.cmpf oeq, %max3A_58, %eq3A_218 : vector<10000x128xf32>
      %gt3A_220 = vector.broadcast %broadcast_in_dim3A_215 : vector<1x128xi32> to vector<10000x128xi32>
      %gt3A_221 = arith.cmpi sgt, %iota3A, %gt3A_220 : vector<10000x128xi32>
      %and3A_222 = arith.andi %eq3A_219, %gt3A_221 : vector<10000x128xi1>
      %or3A_223 = arith.ori %lt3A_217, %and3A_222 : vector<10000x128xi1>
      %jit3A_224 = arith.constant -1.000000e+00 : f32
      %broadcast_in_dim3A_225 = vector.broadcast %jit3A_224 : f32 to vector<10000x128xf32>
      %select_n3A_226 = arith.select %or3A_223, %max3A_58, %broadcast_in_dim3A_225 : vector<10000x128xi1>, vector<10000x128xf32>
      %reduce_max3A_227 = arith.constant dense<0xFF800000> : vector<128xf32>
      %reduce_max3A_228 = vector.multi_reduction <maximumf>, %select_n3A_226, %reduce_max3A_227 [0] : vector<10000x128xf32> to vector<128xf32>
      %broadcast_in_dim3A_229 = vector.shape_cast %reduce_max3A_228 : vector<128xf32> to vector<1x128xf32>
      %eq3A_230 = vector.broadcast %broadcast_in_dim3A_229 : vector<1x128xf32> to vector<10000x128xf32>
      %eq3A_231 = arith.cmpf oeq, %select_n3A_226, %eq3A_230 : vector<10000x128xf32>
      %jit3A_232 = arith.constant 1073741824 : i32
      %broadcast_in_dim3A_233 = vector.broadcast %jit3A_232 : i32 to vector<10000x128xi32>
      %select_n3A_234 = arith.select %eq3A_231, %iota3A, %broadcast_in_dim3A_233 : vector<10000x128xi1>, vector<10000x128xi32>
      %reduce_min3A_235 = arith.constant dense<2147483647> : vector<128xi32>
      %reduce_min3A_236 = vector.multi_reduction <minsi>, %select_n3A_234, %reduce_min3A_235 [0] : vector<10000x128xi32> to vector<128xi32>
      %broadcast_in_dim3A_237 = vector.shape_cast %reduce_min3A_236 : vector<128xi32> to vector<1x128xi32>
      %lt3A_238 = vector.broadcast %broadcast_in_dim3A_229 : vector<1x128xf32> to vector<10000x128xf32>
      %lt3A_239 = arith.cmpf olt, %max3A_58, %lt3A_238 : vector<10000x128xf32>
      %eq3A_240 = vector.broadcast %broadcast_in_dim3A_229 : vector<1x128xf32> to vector<10000x128xf32>
      %eq3A_241 = arith.cmpf oeq, %max3A_58, %eq3A_240 : vector<10000x128xf32>
      %gt3A_242 = vector.broadcast %broadcast_in_dim3A_237 : vector<1x128xi32> to vector<10000x128xi32>
      %gt3A_243 = arith.cmpi sgt, %iota3A, %gt3A_242 : vector<10000x128xi32>
      %and3A_244 = arith.andi %eq3A_241, %gt3A_243 : vector<10000x128xi1>
      %or3A_245 = arith.ori %lt3A_239, %and3A_244 : vector<10000x128xi1>
      %jit3A_246 = arith.constant -1.000000e+00 : f32
      %broadcast_in_dim3A_247 = vector.broadcast %jit3A_246 : f32 to vector<10000x128xf32>
      %select_n3A_248 = arith.select %or3A_245, %max3A_58, %broadcast_in_dim3A_247 : vector<10000x128xi1>, vector<10000x128xf32>
      %reduce_max3A_249 = arith.constant dense<0xFF800000> : vector<128xf32>
      %reduce_max3A_250 = vector.multi_reduction <maximumf>, %select_n3A_248, %reduce_max3A_249 [0] : vector<10000x128xf32> to vector<128xf32>
      %broadcast_in_dim3A_251 = vector.shape_cast %reduce_max3A_250 : vector<128xf32> to vector<1x128xf32>
      %eq3A_252 = vector.broadcast %broadcast_in_dim3A_251 : vector<1x128xf32> to vector<10000x128xf32>
      %eq3A_253 = arith.cmpf oeq, %select_n3A_248, %eq3A_252 : vector<10000x128xf32>
      %jit3A_254 = arith.constant 1073741824 : i32
      %broadcast_in_dim3A_255 = vector.broadcast %jit3A_254 : i32 to vector<10000x128xi32>
      %select_n3A_256 = arith.select %eq3A_253, %iota3A, %broadcast_in_dim3A_255 : vector<10000x128xi1>, vector<10000x128xi32>
      %reduce_min3A_257 = arith.constant dense<2147483647> : vector<128xi32>
      %reduce_min3A_258 = vector.multi_reduction <minsi>, %select_n3A_256, %reduce_min3A_257 [0] : vector<10000x128xi32> to vector<128xi32>
      %broadcast_in_dim3A_259 = vector.shape_cast %reduce_min3A_258 : vector<128xi32> to vector<1x128xi32>
      %lt3A_260 = vector.broadcast %broadcast_in_dim3A_251 : vector<1x128xf32> to vector<10000x128xf32>
      %lt3A_261 = arith.cmpf olt, %max3A_58, %lt3A_260 : vector<10000x128xf32>
      %eq3A_262 = vector.broadcast %broadcast_in_dim3A_251 : vector<1x128xf32> to vector<10000x128xf32>
      %eq3A_263 = arith.cmpf oeq, %max3A_58, %eq3A_262 : vector<10000x128xf32>
      %gt3A_264 = vector.broadcast %broadcast_in_dim3A_259 : vector<1x128xi32> to vector<10000x128xi32>
      %gt3A_265 = arith.cmpi sgt, %iota3A, %gt3A_264 : vector<10000x128xi32>
      %and3A_266 = arith.andi %eq3A_263, %gt3A_265 : vector<10000x128xi1>
      %or3A_267 = arith.ori %lt3A_261, %and3A_266 : vector<10000x128xi1>
      %jit3A_268 = arith.constant -1.000000e+00 : f32
      %broadcast_in_dim3A_269 = vector.broadcast %jit3A_268 : f32 to vector<10000x128xf32>
      %select_n3A_270 = arith.select %or3A_267, %max3A_58, %broadcast_in_dim3A_269 : vector<10000x128xi1>, vector<10000x128xf32>
      %reduce_max3A_271 = arith.constant dense<0xFF800000> : vector<128xf32>
      %reduce_max3A_272 = vector.multi_reduction <maximumf>, %select_n3A_270, %reduce_max3A_271 [0] : vector<10000x128xf32> to vector<128xf32>
      %broadcast_in_dim3A_273 = vector.shape_cast %reduce_max3A_272 : vector<128xf32> to vector<1x128xf32>
      %eq3A_274 = vector.broadcast %broadcast_in_dim3A_273 : vector<1x128xf32> to vector<10000x128xf32>
      %eq3A_275 = arith.cmpf oeq, %select_n3A_270, %eq3A_274 : vector<10000x128xf32>
      %jit3A_276 = arith.constant 1073741824 : i32
      %broadcast_in_dim3A_277 = vector.broadcast %jit3A_276 : i32 to vector<10000x128xi32>
      %select_n3A_278 = arith.select %eq3A_275, %iota3A, %broadcast_in_dim3A_277 : vector<10000x128xi1>, vector<10000x128xi32>
      %reduce_min3A_279 = arith.constant dense<2147483647> : vector<128xi32>
      %reduce_min3A_280 = vector.multi_reduction <minsi>, %select_n3A_278, %reduce_min3A_279 [0] : vector<10000x128xi32> to vector<128xi32>
      %broadcast_in_dim3A_281 = vector.shape_cast %reduce_min3A_280 : vector<128xi32> to vector<1x128xi32>
      %lt3A_282 = vector.broadcast %broadcast_in_dim3A_273 : vector<1x128xf32> to vector<10000x128xf32>
      %lt3A_283 = arith.cmpf olt, %max3A_58, %lt3A_282 : vector<10000x128xf32>
      %eq3A_284 = vector.broadcast %broadcast_in_dim3A_273 : vector<1x128xf32> to vector<10000x128xf32>
      %eq3A_285 = arith.cmpf oeq, %max3A_58, %eq3A_284 : vector<10000x128xf32>
      %gt3A_286 = vector.broadcast %broadcast_in_dim3A_281 : vector<1x128xi32> to vector<10000x128xi32>
      %gt3A_287 = arith.cmpi sgt, %iota3A, %gt3A_286 : vector<10000x128xi32>
      %and3A_288 = arith.andi %eq3A_285, %gt3A_287 : vector<10000x128xi1>
      %or3A_289 = arith.ori %lt3A_283, %and3A_288 : vector<10000x128xi1>
      %jit3A_290 = arith.constant -1.000000e+00 : f32
      %broadcast_in_dim3A_291 = vector.broadcast %jit3A_290 : f32 to vector<10000x128xf32>
      %select_n3A_292 = arith.select %or3A_289, %max3A_58, %broadcast_in_dim3A_291 : vector<10000x128xi1>, vector<10000x128xf32>
      %reduce_max3A_293 = arith.constant dense<0xFF800000> : vector<128xf32>
      %reduce_max3A_294 = vector.multi_reduction <maximumf>, %select_n3A_292, %reduce_max3A_293 [0] : vector<10000x128xf32> to vector<128xf32>
      %broadcast_in_dim3A_295 = vector.shape_cast %reduce_max3A_294 : vector<128xf32> to vector<1x128xf32>
      %eq3A_296 = vector.broadcast %broadcast_in_dim3A_295 : vector<1x128xf32> to vector<10000x128xf32>
      %eq3A_297 = arith.cmpf oeq, %select_n3A_292, %eq3A_296 : vector<10000x128xf32>
      %jit3A_298 = arith.constant 1073741824 : i32
      %broadcast_in_dim3A_299 = vector.broadcast %jit3A_298 : i32 to vector<10000x128xi32>
      %select_n3A_300 = arith.select %eq3A_297, %iota3A, %broadcast_in_dim3A_299 : vector<10000x128xi1>, vector<10000x128xi32>
      %reduce_min3A_301 = arith.constant dense<2147483647> : vector<128xi32>
      %reduce_min3A_302 = vector.multi_reduction <minsi>, %select_n3A_300, %reduce_min3A_301 [0] : vector<10000x128xi32> to vector<128xi32>
      %broadcast_in_dim3A_303 = vector.shape_cast %reduce_min3A_302 : vector<128xi32> to vector<1x128xi32>
      %lt3A_304 = vector.broadcast %broadcast_in_dim3A_295 : vector<1x128xf32> to vector<10000x128xf32>
      %lt3A_305 = arith.cmpf olt, %max3A_58, %lt3A_304 : vector<10000x128xf32>
      %eq3A_306 = vector.broadcast %broadcast_in_dim3A_295 : vector<1x128xf32> to vector<10000x128xf32>
      %eq3A_307 = arith.cmpf oeq, %max3A_58, %eq3A_306 : vector<10000x128xf32>
      %gt3A_308 = vector.broadcast %broadcast_in_dim3A_303 : vector<1x128xi32> to vector<10000x128xi32>
      %gt3A_309 = arith.cmpi sgt, %iota3A, %gt3A_308 : vector<10000x128xi32>
      %and3A_310 = arith.andi %eq3A_307, %gt3A_309 : vector<10000x128xi1>
      %or3A_311 = arith.ori %lt3A_305, %and3A_310 : vector<10000x128xi1>
      %jit3A_312 = arith.constant -1.000000e+00 : f32
      %broadcast_in_dim3A_313 = vector.broadcast %jit3A_312 : f32 to vector<10000x128xf32>
      %select_n3A_314 = arith.select %or3A_311, %max3A_58, %broadcast_in_dim3A_313 : vector<10000x128xi1>, vector<10000x128xf32>
      %reduce_max3A_315 = arith.constant dense<0xFF800000> : vector<128xf32>
      %reduce_max3A_316 = vector.multi_reduction <maximumf>, %select_n3A_314, %reduce_max3A_315 [0] : vector<10000x128xf32> to vector<128xf32>
      %broadcast_in_dim3A_317 = vector.shape_cast %reduce_max3A_316 : vector<128xf32> to vector<1x128xf32>
      %eq3A_318 = vector.broadcast %broadcast_in_dim3A_317 : vector<1x128xf32> to vector<10000x128xf32>
      %eq3A_319 = arith.cmpf oeq, %select_n3A_314, %eq3A_318 : vector<10000x128xf32>
      %jit3A_320 = arith.constant 1073741824 : i32
      %broadcast_in_dim3A_321 = vector.broadcast %jit3A_320 : i32 to vector<10000x128xi32>
      %select_n3A_322 = arith.select %eq3A_319, %iota3A, %broadcast_in_dim3A_321 : vector<10000x128xi1>, vector<10000x128xi32>
      %reduce_min3A_323 = arith.constant dense<2147483647> : vector<128xi32>
      %reduce_min3A_324 = vector.multi_reduction <minsi>, %select_n3A_322, %reduce_min3A_323 [0] : vector<10000x128xi32> to vector<128xi32>
      %broadcast_in_dim3A_325 = vector.shape_cast %reduce_min3A_324 : vector<128xi32> to vector<1x128xi32>
      %lt3A_326 = vector.broadcast %broadcast_in_dim3A_317 : vector<1x128xf32> to vector<10000x128xf32>
      %lt3A_327 = arith.cmpf olt, %max3A_58, %lt3A_326 : vector<10000x128xf32>
      %eq3A_328 = vector.broadcast %broadcast_in_dim3A_317 : vector<1x128xf32> to vector<10000x128xf32>
      %eq3A_329 = arith.cmpf oeq, %max3A_58, %eq3A_328 : vector<10000x128xf32>
      %gt3A_330 = vector.broadcast %broadcast_in_dim3A_325 : vector<1x128xi32> to vector<10000x128xi32>
      %gt3A_331 = arith.cmpi sgt, %iota3A, %gt3A_330 : vector<10000x128xi32>
      %and3A_332 = arith.andi %eq3A_329, %gt3A_331 : vector<10000x128xi1>
      %or3A_333 = arith.ori %lt3A_327, %and3A_332 : vector<10000x128xi1>
      %jit3A_334 = arith.constant -1.000000e+00 : f32
      %broadcast_in_dim3A_335 = vector.broadcast %jit3A_334 : f32 to vector<10000x128xf32>
      %select_n3A_336 = arith.select %or3A_333, %max3A_58, %broadcast_in_dim3A_335 : vector<10000x128xi1>, vector<10000x128xf32>
      %reduce_max3A_337 = arith.constant dense<0xFF800000> : vector<128xf32>
      %reduce_max3A_338 = vector.multi_reduction <maximumf>, %select_n3A_336, %reduce_max3A_337 [0] : vector<10000x128xf32> to vector<128xf32>
      %broadcast_in_dim3A_339 = vector.shape_cast %reduce_max3A_338 : vector<128xf32> to vector<1x128xf32>
      %eq3A_340 = vector.broadcast %broadcast_in_dim3A_339 : vector<1x128xf32> to vector<10000x128xf32>
      %eq3A_341 = arith.cmpf oeq, %select_n3A_336, %eq3A_340 : vector<10000x128xf32>
      %jit3A_342 = arith.constant 1073741824 : i32
      %broadcast_in_dim3A_343 = vector.broadcast %jit3A_342 : i32 to vector<10000x128xi32>
      %select_n3A_344 = arith.select %eq3A_341, %iota3A, %broadcast_in_dim3A_343 : vector<10000x128xi1>, vector<10000x128xi32>
      %reduce_min3A_345 = arith.constant dense<2147483647> : vector<128xi32>
      %reduce_min3A_346 = vector.multi_reduction <minsi>, %select_n3A_344, %reduce_min3A_345 [0] : vector<10000x128xi32> to vector<128xi32>
      %broadcast_in_dim3A_347 = vector.shape_cast %reduce_min3A_346 : vector<128xi32> to vector<1x128xi32>
      %lt3A_348 = vector.broadcast %broadcast_in_dim3A_339 : vector<1x128xf32> to vector<10000x128xf32>
      %lt3A_349 = arith.cmpf olt, %max3A_58, %lt3A_348 : vector<10000x128xf32>
      %eq3A_350 = vector.broadcast %broadcast_in_dim3A_339 : vector<1x128xf32> to vector<10000x128xf32>
      %eq3A_351 = arith.cmpf oeq, %max3A_58, %eq3A_350 : vector<10000x128xf32>
      %gt3A_352 = vector.broadcast %broadcast_in_dim3A_347 : vector<1x128xi32> to vector<10000x128xi32>
      %gt3A_353 = arith.cmpi sgt, %iota3A, %gt3A_352 : vector<10000x128xi32>
      %and3A_354 = arith.andi %eq3A_351, %gt3A_353 : vector<10000x128xi1>
      %or3A_355 = arith.ori %lt3A_349, %and3A_354 : vector<10000x128xi1>
      %jit3A_356 = arith.constant -1.000000e+00 : f32
      %broadcast_in_dim3A_357 = vector.broadcast %jit3A_356 : f32 to vector<10000x128xf32>
      %select_n3A_358 = arith.select %or3A_355, %max3A_58, %broadcast_in_dim3A_357 : vector<10000x128xi1>, vector<10000x128xf32>
      %reduce_max3A_359 = arith.constant dense<0xFF800000> : vector<128xf32>
      %reduce_max3A_360 = vector.multi_reduction <maximumf>, %select_n3A_358, %reduce_max3A_359 [0] : vector<10000x128xf32> to vector<128xf32>
      %broadcast_in_dim3A_361 = vector.shape_cast %reduce_max3A_360 : vector<128xf32> to vector<1x128xf32>
      %eq3A_362 = vector.broadcast %broadcast_in_dim3A_361 : vector<1x128xf32> to vector<10000x128xf32>
      %eq3A_363 = arith.cmpf oeq, %select_n3A_358, %eq3A_362 : vector<10000x128xf32>
      %jit3A_364 = arith.constant 1073741824 : i32
      %broadcast_in_dim3A_365 = vector.broadcast %jit3A_364 : i32 to vector<10000x128xi32>
      %select_n3A_366 = arith.select %eq3A_363, %iota3A, %broadcast_in_dim3A_365 : vector<10000x128xi1>, vector<10000x128xi32>
      %reduce_min3A_367 = arith.constant dense<2147483647> : vector<128xi32>
      %reduce_min3A_368 = vector.multi_reduction <minsi>, %select_n3A_366, %reduce_min3A_367 [0] : vector<10000x128xi32> to vector<128xi32>
      %broadcast_in_dim3A_369 = vector.shape_cast %reduce_min3A_368 : vector<128xi32> to vector<1x128xi32>
      %lt3A_370 = vector.broadcast %broadcast_in_dim3A_361 : vector<1x128xf32> to vector<10000x128xf32>
      %lt3A_371 = arith.cmpf olt, %max3A_58, %lt3A_370 : vector<10000x128xf32>
      %eq3A_372 = vector.broadcast %broadcast_in_dim3A_361 : vector<1x128xf32> to vector<10000x128xf32>
      %eq3A_373 = arith.cmpf oeq, %max3A_58, %eq3A_372 : vector<10000x128xf32>
      %gt3A_374 = vector.broadcast %broadcast_in_dim3A_369 : vector<1x128xi32> to vector<10000x128xi32>
      %gt3A_375 = arith.cmpi sgt, %iota3A, %gt3A_374 : vector<10000x128xi32>
      %and3A_376 = arith.andi %eq3A_373, %gt3A_375 : vector<10000x128xi1>
      %or3A_377 = arith.ori %lt3A_371, %and3A_376 : vector<10000x128xi1>
      %jit3A_378 = arith.constant -1.000000e+00 : f32
      %broadcast_in_dim3A_379 = vector.broadcast %jit3A_378 : f32 to vector<10000x128xf32>
      %select_n3A_380 = arith.select %or3A_377, %max3A_58, %broadcast_in_dim3A_379 : vector<10000x128xi1>, vector<10000x128xf32>
      %reduce_max3A_381 = arith.constant dense<0xFF800000> : vector<128xf32>
      %reduce_max3A_382 = vector.multi_reduction <maximumf>, %select_n3A_380, %reduce_max3A_381 [0] : vector<10000x128xf32> to vector<128xf32>
      %broadcast_in_dim3A_383 = vector.shape_cast %reduce_max3A_382 : vector<128xf32> to vector<1x128xf32>
      %eq3A_384 = vector.broadcast %broadcast_in_dim3A_383 : vector<1x128xf32> to vector<10000x128xf32>
      %eq3A_385 = arith.cmpf oeq, %select_n3A_380, %eq3A_384 : vector<10000x128xf32>
      %jit3A_386 = arith.constant 1073741824 : i32
      %broadcast_in_dim3A_387 = vector.broadcast %jit3A_386 : i32 to vector<10000x128xi32>
      %select_n3A_388 = arith.select %eq3A_385, %iota3A, %broadcast_in_dim3A_387 : vector<10000x128xi1>, vector<10000x128xi32>
      %reduce_min3A_389 = arith.constant dense<2147483647> : vector<128xi32>
      %reduce_min3A_390 = vector.multi_reduction <minsi>, %select_n3A_388, %reduce_min3A_389 [0] : vector<10000x128xi32> to vector<128xi32>
      %broadcast_in_dim3A_391 = vector.shape_cast %reduce_min3A_390 : vector<128xi32> to vector<1x128xi32>
      %lt3A_392 = vector.broadcast %broadcast_in_dim3A_383 : vector<1x128xf32> to vector<10000x128xf32>
      %lt3A_393 = arith.cmpf olt, %max3A_58, %lt3A_392 : vector<10000x128xf32>
      %eq3A_394 = vector.broadcast %broadcast_in_dim3A_383 : vector<1x128xf32> to vector<10000x128xf32>
      %eq3A_395 = arith.cmpf oeq, %max3A_58, %eq3A_394 : vector<10000x128xf32>
      %gt3A_396 = vector.broadcast %broadcast_in_dim3A_391 : vector<1x128xi32> to vector<10000x128xi32>
      %gt3A_397 = arith.cmpi sgt, %iota3A, %gt3A_396 : vector<10000x128xi32>
      %and3A_398 = arith.andi %eq3A_395, %gt3A_397 : vector<10000x128xi1>
      %or3A_399 = arith.ori %lt3A_393, %and3A_398 : vector<10000x128xi1>
      %jit3A_400 = arith.constant -1.000000e+00 : f32
      %broadcast_in_dim3A_401 = vector.broadcast %jit3A_400 : f32 to vector<10000x128xf32>
      %select_n3A_402 = arith.select %or3A_399, %max3A_58, %broadcast_in_dim3A_401 : vector<10000x128xi1>, vector<10000x128xf32>
      %reduce_max3A_403 = arith.constant dense<0xFF800000> : vector<128xf32>
      %reduce_max3A_404 = vector.multi_reduction <maximumf>, %select_n3A_402, %reduce_max3A_403 [0] : vector<10000x128xf32> to vector<128xf32>
      %broadcast_in_dim3A_405 = vector.shape_cast %reduce_max3A_404 : vector<128xf32> to vector<1x128xf32>
      %eq3A_406 = vector.broadcast %broadcast_in_dim3A_405 : vector<1x128xf32> to vector<10000x128xf32>
      %eq3A_407 = arith.cmpf oeq, %select_n3A_402, %eq3A_406 : vector<10000x128xf32>
      %jit3A_408 = arith.constant 1073741824 : i32
      %broadcast_in_dim3A_409 = vector.broadcast %jit3A_408 : i32 to vector<10000x128xi32>
      %select_n3A_410 = arith.select %eq3A_407, %iota3A, %broadcast_in_dim3A_409 : vector<10000x128xi1>, vector<10000x128xi32>
      %reduce_min3A_411 = arith.constant dense<2147483647> : vector<128xi32>
      %reduce_min3A_412 = vector.multi_reduction <minsi>, %select_n3A_410, %reduce_min3A_411 [0] : vector<10000x128xi32> to vector<128xi32>
      %broadcast_in_dim3A_413 = vector.shape_cast %reduce_min3A_412 : vector<128xi32> to vector<1x128xi32>
      %lt3A_414 = vector.broadcast %broadcast_in_dim3A_405 : vector<1x128xf32> to vector<10000x128xf32>
      %lt3A_415 = arith.cmpf olt, %max3A_58, %lt3A_414 : vector<10000x128xf32>
      %eq3A_416 = vector.broadcast %broadcast_in_dim3A_405 : vector<1x128xf32> to vector<10000x128xf32>
      %eq3A_417 = arith.cmpf oeq, %max3A_58, %eq3A_416 : vector<10000x128xf32>
      %gt3A_418 = vector.broadcast %broadcast_in_dim3A_413 : vector<1x128xi32> to vector<10000x128xi32>
      %gt3A_419 = arith.cmpi sgt, %iota3A, %gt3A_418 : vector<10000x128xi32>
      %and3A_420 = arith.andi %eq3A_417, %gt3A_419 : vector<10000x128xi1>
      %or3A_421 = arith.ori %lt3A_415, %and3A_420 : vector<10000x128xi1>
      %jit3A_422 = arith.constant -1.000000e+00 : f32
      %broadcast_in_dim3A_423 = vector.broadcast %jit3A_422 : f32 to vector<10000x128xf32>
      %select_n3A_424 = arith.select %or3A_421, %max3A_58, %broadcast_in_dim3A_423 : vector<10000x128xi1>, vector<10000x128xf32>
      %reduce_max3A_425 = arith.constant dense<0xFF800000> : vector<128xf32>
      %reduce_max3A_426 = vector.multi_reduction <maximumf>, %select_n3A_424, %reduce_max3A_425 [0] : vector<10000x128xf32> to vector<128xf32>
      %broadcast_in_dim3A_427 = vector.shape_cast %reduce_max3A_426 : vector<128xf32> to vector<1x128xf32>
      %eq3A_428 = vector.broadcast %broadcast_in_dim3A_427 : vector<1x128xf32> to vector<10000x128xf32>
      %eq3A_429 = arith.cmpf oeq, %select_n3A_424, %eq3A_428 : vector<10000x128xf32>
      %jit3A_430 = arith.constant 1073741824 : i32
      %broadcast_in_dim3A_431 = vector.broadcast %jit3A_430 : i32 to vector<10000x128xi32>
      %select_n3A_432 = arith.select %eq3A_429, %iota3A, %broadcast_in_dim3A_431 : vector<10000x128xi1>, vector<10000x128xi32>
      %reduce_min3A_433 = arith.constant dense<2147483647> : vector<128xi32>
      %reduce_min3A_434 = vector.multi_reduction <minsi>, %select_n3A_432, %reduce_min3A_433 [0] : vector<10000x128xi32> to vector<128xi32>
      %broadcast_in_dim3A_435 = vector.shape_cast %reduce_min3A_434 : vector<128xi32> to vector<1x128xi32>
      %lt3A_436 = vector.broadcast %broadcast_in_dim3A_427 : vector<1x128xf32> to vector<10000x128xf32>
      %lt3A_437 = arith.cmpf olt, %max3A_58, %lt3A_436 : vector<10000x128xf32>
      %eq3A_438 = vector.broadcast %broadcast_in_dim3A_427 : vector<1x128xf32> to vector<10000x128xf32>
      %eq3A_439 = arith.cmpf oeq, %max3A_58, %eq3A_438 : vector<10000x128xf32>
      %gt3A_440 = vector.broadcast %broadcast_in_dim3A_435 : vector<1x128xi32> to vector<10000x128xi32>
      %gt3A_441 = arith.cmpi sgt, %iota3A, %gt3A_440 : vector<10000x128xi32>
      %and3A_442 = arith.andi %eq3A_439, %gt3A_441 : vector<10000x128xi1>
      %or3A_443 = arith.ori %lt3A_437, %and3A_442 : vector<10000x128xi1>
      %jit3A_444 = arith.constant -1.000000e+00 : f32
      %broadcast_in_dim3A_445 = vector.broadcast %jit3A_444 : f32 to vector<10000x128xf32>
      %select_n3A_446 = arith.select %or3A_443, %max3A_58, %broadcast_in_dim3A_445 : vector<10000x128xi1>, vector<10000x128xf32>
      %reduce_max3A_447 = arith.constant dense<0xFF800000> : vector<128xf32>
      %reduce_max3A_448 = vector.multi_reduction <maximumf>, %select_n3A_446, %reduce_max3A_447 [0] : vector<10000x128xf32> to vector<128xf32>
      %broadcast_in_dim3A_449 = vector.shape_cast %reduce_max3A_448 : vector<128xf32> to vector<1x128xf32>
      %eq3A_450 = vector.broadcast %broadcast_in_dim3A_449 : vector<1x128xf32> to vector<10000x128xf32>
      %eq3A_451 = arith.cmpf oeq, %select_n3A_446, %eq3A_450 : vector<10000x128xf32>
      %jit3A_452 = arith.constant 1073741824 : i32
      %broadcast_in_dim3A_453 = vector.broadcast %jit3A_452 : i32 to vector<10000x128xi32>
      %select_n3A_454 = arith.select %eq3A_451, %iota3A, %broadcast_in_dim3A_453 : vector<10000x128xi1>, vector<10000x128xi32>
      %reduce_min3A_455 = arith.constant dense<2147483647> : vector<128xi32>
      %reduce_min3A_456 = vector.multi_reduction <minsi>, %select_n3A_454, %reduce_min3A_455 [0] : vector<10000x128xi32> to vector<128xi32>
      %broadcast_in_dim3A_457 = vector.shape_cast %reduce_min3A_456 : vector<128xi32> to vector<1x128xi32>
      %lt3A_458 = vector.broadcast %broadcast_in_dim3A_449 : vector<1x128xf32> to vector<10000x128xf32>
      %lt3A_459 = arith.cmpf olt, %max3A_58, %lt3A_458 : vector<10000x128xf32>
      %eq3A_460 = vector.broadcast %broadcast_in_dim3A_449 : vector<1x128xf32> to vector<10000x128xf32>
      %eq3A_461 = arith.cmpf oeq, %max3A_58, %eq3A_460 : vector<10000x128xf32>
      %gt3A_462 = vector.broadcast %broadcast_in_dim3A_457 : vector<1x128xi32> to vector<10000x128xi32>
      %gt3A_463 = arith.cmpi sgt, %iota3A, %gt3A_462 : vector<10000x128xi32>
      %and3A_464 = arith.andi %eq3A_461, %gt3A_463 : vector<10000x128xi1>
      %or3A_465 = arith.ori %lt3A_459, %and3A_464 : vector<10000x128xi1>
      %jit3A_466 = arith.constant -1.000000e+00 : f32
      %broadcast_in_dim3A_467 = vector.broadcast %jit3A_466 : f32 to vector<10000x128xf32>
      %select_n3A_468 = arith.select %or3A_465, %max3A_58, %broadcast_in_dim3A_467 : vector<10000x128xi1>, vector<10000x128xf32>
      %reduce_max3A_469 = arith.constant dense<0xFF800000> : vector<128xf32>
      %reduce_max3A_470 = vector.multi_reduction <maximumf>, %select_n3A_468, %reduce_max3A_469 [0] : vector<10000x128xf32> to vector<128xf32>
      %broadcast_in_dim3A_471 = vector.shape_cast %reduce_max3A_470 : vector<128xf32> to vector<1x128xf32>
      %eq3A_472 = vector.broadcast %broadcast_in_dim3A_471 : vector<1x128xf32> to vector<10000x128xf32>
      %eq3A_473 = arith.cmpf oeq, %select_n3A_468, %eq3A_472 : vector<10000x128xf32>
      %jit3A_474 = arith.constant 1073741824 : i32
      %broadcast_in_dim3A_475 = vector.broadcast %jit3A_474 : i32 to vector<10000x128xi32>
      %select_n3A_476 = arith.select %eq3A_473, %iota3A, %broadcast_in_dim3A_475 : vector<10000x128xi1>, vector<10000x128xi32>
      %reduce_min3A_477 = arith.constant dense<2147483647> : vector<128xi32>
      %reduce_min3A_478 = vector.multi_reduction <minsi>, %select_n3A_476, %reduce_min3A_477 [0] : vector<10000x128xi32> to vector<128xi32>
      %broadcast_in_dim3A_479 = vector.shape_cast %reduce_min3A_478 : vector<128xi32> to vector<1x128xi32>
      %concatenate3A = tpu.concatenate %broadcast_in_dim3A, %broadcast_in_dim3A_75, %broadcast_in_dim3A_97, %broadcast_in_dim3A_119, %broadcast_in_dim3A_141, %broadcast_in_dim3A_163, %broadcast_in_dim3A_185, %broadcast_in_dim3A_207, %broadcast_in_dim3A_229, %broadcast_in_dim3A_251, %broadcast_in_dim3A_273, %broadcast_in_dim3A_295, %broadcast_in_dim3A_317, %broadcast_in_dim3A_339, %broadcast_in_dim3A_361, %broadcast_in_dim3A_383, %broadcast_in_dim3A_405, %broadcast_in_dim3A_427, %broadcast_in_dim3A_449, %broadcast_in_dim3A_471 in 0 : vector<1x128xf32>, vector<1x128xf32>, vector<1x128xf32>, vector<1x128xf32>, vector<1x128xf32>, vector<1x128xf32>, vector<1x128xf32>, vector<1x128xf32>, vector<1x128xf32>, vector<1x128xf32>, vector<1x128xf32>, vector<1x128xf32>, vector<1x128xf32>, vector<1x128xf32>, vector<1x128xf32>, vector<1x128xf32>, vector<1x128xf32>, vector<1x128xf32>, vector<1x128xf32>, vector<1x128xf32> -> vector<20x128xf32>
      %concatenate3A_480 = tpu.concatenate %broadcast_in_dim3A_65, %broadcast_in_dim3A_83, %broadcast_in_dim3A_105, %broadcast_in_dim3A_127, %broadcast_in_dim3A_149, %broadcast_in_dim3A_171, %broadcast_in_dim3A_193, %broadcast_in_dim3A_215, %broadcast_in_dim3A_237, %broadcast_in_dim3A_259, %broadcast_in_dim3A_281, %broadcast_in_dim3A_303, %broadcast_in_dim3A_325, %broadcast_in_dim3A_347, %broadcast_in_dim3A_369, %broadcast_in_dim3A_391, %broadcast_in_dim3A_413, %broadcast_in_dim3A_435, %broadcast_in_dim3A_457, %broadcast_in_dim3A_479 in 0 : vector<1x128xi32>, vector<1x128xi32>, vector<1x128xi32>, vector<1x128xi32>, vector<1x128xi32>, vector<1x128xi32>, vector<1x128xi32>, vector<1x128xi32>, vector<1x128xi32>, vector<1x128xi32>, vector<1x128xi32>, vector<1x128xi32>, vector<1x128xi32>, vector<1x128xi32>, vector<1x128xi32>, vector<1x128xi32>, vector<1x128xi32>, vector<1x128xi32>, vector<1x128xi32>, vector<1x128xi32> -> vector<20x128xi32>
      %broadcast_in_dim3A_481 = vector.shape_cast %concatenate3A_480 : vector<20x128xi32> to vector<20x1x128xi32>
      %broadcast_in_dim3A_482 = vector.shape_cast %concatenate3A_480 : vector<20x128xi32> to vector<1x20x128xi32>
      %lt3A_483 = vector.broadcast %broadcast_in_dim3A_481 : vector<20x1x128xi32> to vector<20x20x128xi32>
      %lt3A_484 = vector.broadcast %broadcast_in_dim3A_482 : vector<1x20x128xi32> to vector<20x20x128xi32>
      %lt3A_485 = arith.cmpi slt, %lt3A_483, %lt3A_484 : vector<20x20x128xi32>
      %convert_element_type3A_486 = arith.extui %lt3A_485 : vector<20x20x128xi1> to vector<20x20x128xi32>
      %reduce_sum3A_487 = arith.constant dense<0> : vector<20x128xi32>
      %reduce_sum3A_488 = vector.multi_reduction <add>, %convert_element_type3A_486, %reduce_sum3A_487 [0] : vector<20x20x128xi32> to vector<20x128xi32>
      %iota3A_489 = tpu.iota {dimensions = array<i32: 0>} : vector<20x20x1xi32>
      %broadcast_in_dim3A_490 = vector.shape_cast %reduce_sum3A_488 : vector<20x128xi32> to vector<1x20x128xi32>
      %eq3A_491 = vector.broadcast %broadcast_in_dim3A_490 : vector<1x20x128xi32> to vector<20x20x128xi32>
      %eq3A_492 = vector.broadcast %iota3A_489 : vector<20x20x1xi32> to vector<20x20x128xi32>
      %eq3A_493 = arith.cmpi eq, %eq3A_491, %eq3A_492 : vector<20x20x128xi32>
      %broadcast_in_dim3A_494 = vector.shape_cast %concatenate3A : vector<20x128xf32> to vector<1x20x128xf32>
      %jit3A_495 = arith.constant 0.000000e+00 : f32
      %broadcast_in_dim3A_496 = vector.shape_cast %broadcast_in_dim3A_494 : vector<1x20x128xf32> to vector<1x20x128xf32>
      %broadcast_in_dim3A_497 = vector.broadcast %broadcast_in_dim3A_496 : vector<1x20x128xf32> to vector<20x20x128xf32>
      %broadcast_in_dim3A_498 = vector.broadcast %jit3A_495 : f32 to vector<20x20x128xf32>
      %select_n3A_499 = arith.select %eq3A_493, %broadcast_in_dim3A_497, %broadcast_in_dim3A_498 : vector<20x20x128xi1>, vector<20x20x128xf32>
      %reduce_sum3A_500 = arith.constant dense<0.000000e+00> : vector<20x128xf32>
      %reduce_sum3A_501 = vector.multi_reduction <add>, %select_n3A_499, %reduce_sum3A_500 [1] : vector<20x20x128xf32> to vector<20x128xf32>
      %swap3A = arith.constant 0 : index
      %swap3A_502 = arith.constant 0 : index
      %swap3A_503 = vector.load %arg5[%swap3A, %swap3A_502] : memref<20x128xf32, #tpu.memory_space<vmem>>, vector<20x128xf32>
      tpu.vector_store %arg5[%swap3A, %swap3A_502], %reduce_sum3A_501 {strides = array<i32>} : memref<20x128xf32, #tpu.memory_space<vmem>>, vector<20x128xf32>,
      %broadcast_in_dim3A_504 = vector.shape_cast %concatenate3A_480 : vector<20x128xi32> to vector<1x20x128xi32>
      %jit3A_505 = arith.constant 0 : i32
      %broadcast_in_dim3A_506 = vector.shape_cast %broadcast_in_dim3A_504 : vector<1x20x128xi32> to vector<1x20x128xi32>
      %broadcast_in_dim3A_507 = vector.broadcast %broadcast_in_dim3A_506 : vector<1x20x128xi32> to vector<20x20x128xi32>
      %broadcast_in_dim3A_508 = vector.broadcast %jit3A_505 : i32 to vector<20x20x128xi32>
      %select_n3A_509 = arith.select %eq3A_493, %broadcast_in_dim3A_507, %broadcast_in_dim3A_508 : vector<20x20x128xi1>, vector<20x20x128xi32>
      %reduce_sum3A_510 = arith.constant dense<0> : vector<20x128xi32>
      %reduce_sum3A_511 = vector.multi_reduction <add>, %select_n3A_509, %reduce_sum3A_510 [1] : vector<20x20x128xi32> to vector<20x128xi32>
      %swap3A_512 = arith.constant 0 : index
      %swap3A_513 = arith.constant 0 : index
      %swap3A_514 = vector.load %arg6[%swap3A_512, %swap3A_513] : memref<20x128xi32, #tpu.memory_space<vmem>>, vector<20x128xi32>
      tpu.vector_store %arg6[%swap3A_512, %swap3A_513], %reduce_sum3A_511 {strides = array<i32>} : memref<20x128xi32, #tpu.memory_space<vmem>>, vector<20x128xi32>,
    } else {
    }
    return
  }
  func.func @transform_0(%arg0: i32) -> (i32, i32) {
    %c0_i32 = arith.constant 0 : i32
    %c0_i32_0 = arith.constant 0 : i32
    %c0_i32_1 = arith.constant 0 : i32
    return %c0_i32, %c0_i32_0 : i32, i32
  }
  func.func @transform_1(%arg0: i32) -> (i32, i32) {
    %c0_i32 = arith.constant 0 : i32
    %c0_i32_0 = arith.constant 0 : i32
    %c0_i32_1 = arith.constant 0 : i32
    return %c0_i32, %c0_i32_0 : i32, i32
  }
  func.func @transform_2(%arg0: i32) -> (i32, i32) {
    %c0_i32 = arith.constant 0 : i32
    %c0_i32_0 = arith.constant 0 : i32
    %c0_i32_1 = arith.constant 0 : i32
    return %c0_i32, %c0_i32_0 : i32, i32
  }
  func.func @transform_3(%arg0: i32) -> (i32, i32) {
    %c0_i32 = arith.constant 0 : i32
    %c0_i32_0 = arith.constant 0 : i32
    %c0_i32_1 = arith.constant 0 : i32
    return %c0_i32, %c0_i32_0 : i32, i32
  }
  func.func @transform_4(%arg0: i32) -> (i32, i32) {
    %c0_i32 = arith.constant 0 : i32
    %c0_i32_0 = arith.constant 0 : i32
    return %c0_i32, %arg0 : i32, i32
  }
  func.func @transform_5(%arg0: i32) -> (i32, i32) {
    %c0_i32 = arith.constant 0 : i32
    %c0_i32_0 = arith.constant 0 : i32
    return %c0_i32, %arg0 : i32, i32
  }
}

</mosaic_0001>

<sc_bundles>
// kernel: gather_offload_async_start.1
scs
__scs_entry_jumppad:
0x0: {  	(pc) =	sbr.rel $0x88, $3  }
0x1: {  	(tag) =	ssettag $0x0;
	lr =	simm.s32 $0x1  }
0x2: {  	[smem:$0x3F9C] =	sst lr;
	_ =	strace $0xD0000000  }
0x3: {  	_ = 	snop  }
0x4: {  	_ = 	snop  }
0x5: {  	_ = 	snop  }
0x6: {  	_ = 	snop  }
0x7: {  	_ = 	snop  }
__scs_overlays_trampoline_lowered:
0x8: {  	[smem:$0x3FAB] =	sst s0  }
0x9: {  	[smem:$0x3FAC] =	sst s1  }
0xa: {  	[smem:$0x3FAD] =	sst s2  }
0xb: {  	[smem:$0x3FAE] =	sst s3  }
0xc: {  	[smem:$0x3FAF] =	sst s4  }
0xd: {  	[smem:$0x3FB0] =	sst s5  }
0xe: {  	[smem:$0x3FB1] =	sst s6  }
0xf: {  	[smem:$0x3FB2] =	sst s7  }
0x10: {  	[smem:$0x3FB3] =	sst s8  }
0x11: {  	[smem:$0x3FB4] =	sst s9;
	s0 =	simm.s32 @!p0 $0x0  }
0x12: {  	s1 =	sld [smem:$0x3F9A];
	s0 =	simm.s32 @p0 $0x1  }
0x13: {  	[smem:$0x3FB5] =	sst s0;
	s0 =	simm.s32 @!p1 $0x0  }
0x14: {  	s2 =	sld [smem:$0x3F99];
	s0 =	simm.s32 @p1 $0x1  }
0x15: {  	[smem:$0x3FB6] =	sst s0;
	s0 =	simm.s32 @!p2 $0x0  }
0x16: {  	s3 =	sld [smem:$0x3FDB];
	s0 =	simm.s32 @p2 $0x1  }
0x17: {  	s4 =	simm.s32 $0x1BF5;
	[smem:$0x3FB8] =	sst s0  }
0x18: {  	s0 =	sld [smem:$0x3F9B];
	_ =	swait.ge [sflag:s4], $0x0  }
0x19: {  	s7 =	sld [smem:$0x3F9C]  }
0x1a: {  	s8 =	sadd.s32 $0xFFFFE003, lr  }
0x1b: {  	s9 =	sadd.s32 $0xFFFFFEF7, lr;
	s5 =	simm.s32 $0xFFFFFFFF;
	p2 =	slt.u32 s8, $0xFFFFF086  }
0x1c: {  	p1 =	slt.u32 s9, $0xF7A;
	s5 =	simm.s32 @!p2 $0x0  }
0x1d: {  	s5 =	simm.s32 @p1 $0x1;
	p0 =	seq.s32 s7, s2  }
0x1e: {  	s7 =	smul.u32 @!p0 $0xF7A, s2;
	p2 =	seq.s32 @!p0 s5, $0x0  }
0x1f: {  	s9 =	smul.u32 $0xF7A, s1;
	s8 =	simm.s32 @!p0 $0x1BF5;
	p2 =	por !p2, p0  }
0x20: {  	[sflag:s8] =	ssyncset.s32 @!p0 $0xFFFFF086;
	s6 =	sadd.s32 @!p0 s3, s7;
	s7 =	simm.s32 @!p0 $0x108  }
0x21: {  	s3 =	sadd.s32 s3, s9;
	s6 =	sadd.s32 @!p0 $0x88, s6;
	s7 =	simm.s32 @p2 $0x1082  }
0x22: {  	[simem:s7], [sflag:s8] =	dma.local @!p0 [hbm:s6], $0xF7A  }
0x23: {  	s9 =	sor.u32 $0xD0000000, s2;
	s6 =	simm.s32 $0x108;
	_ =	swait.ge @!p0 [sflag:s8], $0x0  }
0x24: {  	s3 =	sadd.s32 $0x88, s3;
	s6 =	simm.s32 @!p1 $0x1082;
	[sflag:s4] =	ssyncset.s32 $0xFFFFF086  }
0x25: {  	[simem:s6], [sflag:s4] =	dma.local [hbm:s3], $0xF7A  }
0x26: {  	[smem:$0x3F9C] =	sst s1;
	(tag) =	ssettag s2;
	_ =	strace s9  }
0x27: {  	s1 =	sld [smem:$0x3FAC]  }
0x28: {  	s2 =	sld [smem:$0x3FAD]  }
0x29: {  	s4 =	sld [smem:$0x3FAF]  }
0x2a: {  	p0 =	seq.s32 s5, $0x0;
	s5 =	sld [smem:$0x3FB0]  }
0x2b: {  	s6 =	sld [smem:$0x3FB1]  }
0x2c: {  	s7 =	sld [smem:$0x3FB2]  }
0x2d: {  	s3 =	simm.s32 $0x108;
	s8 =	sld [smem:$0x3FB3]  }
0x2e: {  	s3 =	simm.s32 @!p0 $0x1082;
	s9 =	sld [smem:$0x3FB4]  }
0x2f: {  	lr =	sadd.s32 s0, s3;
	s0 =	sld [smem:$0x3FAB]  }
0x30: {  	s3 =	sld [smem:$0x3FAE]  }
0x31: {  	[smem:$0x3FB7] =	sst s10  }
0x32: {  	s10 =	sld [smem:$0x3FB5];
	_ =	sdelay $0x3  }
0x33: {  	p0 =	seq.s32 s10, $0x1;
	s10 =	sld [smem:$0x3FB7];
	_ =	sdelay $0x3  }
0x34: {  	[smem:$0x3FB7] =	sst s10  }
0x35: {  	s10 =	sld [smem:$0x3FB6];
	_ =	sdelay $0x3  }
0x36: {  	p1 =	seq.s32 s10, $0x1;
	s10 =	sld [smem:$0x3FB7];
	_ =	sdelay $0x3  }
0x37: {  	[smem:$0x3FB7] =	sst s10  }
0x38: {  	s10 =	sld [smem:$0x3FB8]  }
0x39: {  	_ = 	snop;
	(pc) =	sbr.ind lr, $3  }
0x3a: {  	_ = 	snop  }
0x3b: {  	_ = 	snop  }
0x3c: {  	p2 =	seq.s32 s10, $0x1;
	s10 =	sld [smem:$0x3FB7]  }
0x3d: {  	_ =	shalt  }
0x3e: {  	_ =	shalt  }
0x3f: {  	_ =	shalt  }
0x40: {  	_ =	shalt  }
0x41: {  	_ =	shalt  }
0x42: {  	_ =	shalt  }
0x43: {  	_ =	shalt  }
0x44: {  	_ =	shalt  }
0x45: {  	_ =	shalt  }
0x46: {  	_ =	shalt  }
0x47: {  	_ =	shalt  }
0x48: {  	_ =	shalt  }
0x49: {  	_ =	shalt  }
0x4a: {  	_ =	shalt  }
0x4b: {  	_ =	shalt  }
0x4c: {  	_ =	shalt  }
0x4d: {  	_ =	shalt  }
0x4e: {  	_ =	shalt  }
0x4f: {  	_ =	shalt  }
0x50: {  	_ =	shalt  }
0x51: {  	_ =	shalt  }
0x52: {  	_ =	shalt  }
0x53: {  	_ =	shalt  }
0x54: {  	_ =	shalt  }
0x55: {  	_ =	shalt  }
0x56: {  	_ =	shalt  }
0x57: {  	_ =	shalt  }
0x58: {  	_ =	shalt  }
0x59: {  	_ =	shalt  }
0x5a: {  	_ =	shalt  }
0x5b: {  	_ =	shalt  }
0x5c: {  	_ =	shalt  }
0x5d: {  	_ =	shalt  }
0x5e: {  	_ =	shalt  }
0x5f: {  	_ =	shalt  }
0x60: {  	_ =	shalt  }
0x61: {  	_ =	shalt  }
0x62: {  	_ =	shalt  }
0x63: {  	_ =	shalt  }
0x64: {  	_ =	shalt  }
0x65: {  	_ =	shalt  }
0x66: {  	_ =	shalt  }
0x67: {  	_ =	shalt  }
0x68: {  	_ =	shalt  }
0x69: {  	_ =	shalt  }
0x6a: {  	_ =	shalt  }
0x6b: {  	_ =	shalt  }
0x6c: {  	_ =	shalt  }
0x6d: {  	_ =	shalt  }
0x6e: {  	_ =	shalt  }
0x6f: {  	_ =	shalt  }
0x70: {  	_ =	shalt  }
0x71: {  	_ =	shalt  }
0x72: {  	_ =	shalt  }
0x73: {  	_ =	shalt  }
0x74: {  	_ =	shalt  }
0x75: {  	_ =	shalt  }
0x76: {  	_ =	shalt  }
0x77: {  	_ =	shalt  }
0x78: {  	_ =	shalt  }
0x79: {  	_ =	shalt  }
0x7a: {  	_ =	shalt  }
0x7b: {  	_ =	shalt  }
0x7c: {  	_ =	shalt  }
0x7d: {  	_ =	shalt  }
0x7e: {  	_ =	shalt  }
0x7f: {  	_ =	shalt  }
0x80: {  	_ =	shalt  }
0x81: {  	_ =	shalt  }
0x82: {  	_ =	shalt  }
0x83: {  	_ =	shalt  }
0x84: {  	_ =	shalt  }
0x85: {  	_ =	shalt  }
0x86: {  	_ =	shalt  }
0x87: {  	_ =	shalt  }
.Lfunc_end0:
.L_simem_size_0:
called_computation.1_lowered:
.L_overlay_start_0:
0x88: {  	s0 =	sld [smem:$0x3FD9]  }
0x89: {  	s1 =	sld [smem:$0x3FFE];
	_ =	sdelay $0x3  }
0x8a: {  	s0 =	sadd.s32 s1, s0  }
0x8b: {  	[smem:$0x3FC3] =	sst s0  }
0x8c: {  	_ = 	snop  }
0x8d: {  	s0 =	sld [smem:$0x3FD0];
	_ =	sdelay $0x2  }
0x8e: {  	s13 =	simm.s32 $0xB;
	s2 =	simm.s32 $0x10  }
0x8f: {  	[smem:s2], [sflag:s13] =	dma.local [hbm:s0], $0x1  }
0x90: {  	_ =	swait.eq [sflag:s13], $0x1  }
0x91: {  	[sflag:s13] =	ssyncset.done $0x0  }
0x92: {  	[sflag:s13] =	ssyncadd.s32 $0xFFFFFFFF  }
0x93: {  	s14 =	sld [smem:$0x11];
	(tm) =	ssettm $0x1  }
0x94: {  	s15 =	sld [smem:$0x3FFB];
	_ =	sdelay $0x3  }
0x95: {  	_ =	strace s15  }
0x96: {  	s1 =	sld [smem:$0x3FFC];
	_ =	sdelay $0x3  }
0x97: {  	_ =	strace s1  }
0x98: {  	s1 =	sld [smem:$0x3FFD];
	_ =	sdelay $0x3  }
0x99: {  	_ =	strace s1  }
0x9a: {  	_ =	strace $0x8FFFFFFF  }
0x9b: {  	s16 =	sld [smem:$0x3FDB];
	_ =	sdelay $0x1  }
0x9c: {  	s17 =	simm.s32 $_scs_section_size  }
0x9d: {  	s3 =	simm.s32 $_size__tile_overlayer_lowered;
	s4 =	simm.s32 $_tile_overlayer_lowered  }
0x9e: {  	s20 =	simm.s32 $0x1BFF;
	s19 =	sshll.u32 s4, $0x1;
	s1 =	sadd.s32 s17, s16  }
0x9f: {  	s5 =	simm.s32 $0x0;
	s18 =	sshll.u32 s3, $0x1;
	s3 =	sadd.s32 s19, s1  }
0xa0: {  	[timem:s5], [sflag:s20] =	dma.local [hbm:s3], s18  }
0xa1: {  	_ =	swait.ge [sflag:s20], s18  }
0xa2: {  	s2 =	ssub.s32 $0x0, s18;
	[sflag:s20] =	ssyncset.done $0x0  }
0xa3: {  	[sflag:s20] =	ssyncadd.s32 s2;
	_ =	sdelay $0x1  }
0xa4: {  	s21 =	simm.s32 $0x1B8B  }
0xa5: {  	_ =	swait.ge [sflag:s21], $0x1  }
0xa6: {  	[sflag:s21] =	ssyncset.done $0x0  }
0xa7: {  	s23 =	simm.s32 $0x1B8E;
	s22 =	sld [smem:$0x3FFE];
	[sflag:s21] =	ssyncadd.s32 $0xFFFFFFFF  }
0xa8: {  	s24 =	simm.s32 $execute0_lowered;
	[smem:$0x3FD2] =	sst s23  }
0xa9: {  	s3 =	sshll.u32 s24, $0x1;
	_ =	strace $0x80000049;
	[dreg:$0x1] =	wrdreg $0xFFFFFFFF  }
0xaa: {  	s25 =	simm.s32 $_size_execute0_lowered;
	s1 =	sadd.s32 s1, s3;
	[dreg:$0x0] =	wrdreg $0x0  }
0xab: {  	s3 =	sshll.u32 s25, $0x1;
	[dreg:$0x2] =	wrdreg s1  }
0xac: {  	[dreg:$0x3] =	wrdreg s3  }
0xad: {  	[dreg:$0x4] =	wrdreg $0xC0  }
0xae: {  	_ =	task [dreg:s5], $0x5FFFF  }
0xaf: {  	[dreg:$0x1] =	wrdreg $0xFFFFFFFF  }
0xb0: {  	[dreg:$0x0] =	wrdreg $0x60  }
0xb1: {  	[dreg:$0x2] =	wrdreg s22  }
0xb2: {  	[dreg:$0x3] =	wrdreg s14  }
0xb3: {  	[dreg:$0x4] =	wrdreg $0xA  }
0xb4: {  	_ =	task.clear_ibuf [dreg:s5], $0x5FFFF;
	_ =	strace $0x90000049  }
0xb5: {  	s26 =	simm.s32 $0xA;
	_ =	strace $0x8000004B  }
0xb6: {  	_ =	swait.ge [sflag:s26], $0x1  }
0xb7: {  	[sflag:s26] =	ssyncadd.s32 $0xFFFFFFFF  }
0xb8: {  	_ =	strace $0x9000004B  }
0xb9: {  	_ =	sfence  }
0xba: {  	s28 =	sld [smem:$0x0];
	_ =	sdelay $0x1  }
0xbb: {  	s29 =	srdreg.scid  }
0xbc: {  	s30 =	sshll.u32 s29, $0xD;
	s31 =	sshrl.u32 s29, $0x2  }
0xbd: {  	s2 =	sand.u32 $0x4000, s30;
	s1 =	sand.u32 $0x1, s29;
	s0 =	sadd.s32 s31, s28  }
0xbe: {  	s1 =	sor.u32 s2, s1;
	s0 =	sshll.u32 s0, $0x11  }
0xbf: {  	s0 =	sor.u32 s0, s1  }
0xc0: {  	s0 =	sadd.s32 $0x8F2B, s0  }
0xc1: {  	[sflag:s0] =	ssyncadd.remote.s32 $0x1  }
0xc2: {  	_ =	sfence.sel $0xFFFF  }
0xc3: {  	[dreg:$0x0] =	wrdreg $0xFFFFFFFF;
	(pc) =	sbr.abs _section_cstart, $3  }
0xc4: {  	[dreg:$0x1] =	wrdreg $0xFFFFFFFF  }
0xc5: {  	_ =	task.clear_ibuf [dreg:s5], $0x2FFFF;
	_ =	strace $0x9FFFFFFF  }
0xc6: {  	(tm) =	ssettm $0x7FFFFFFF  }
0xc7: {  	_ =	shalt  }
tec
execute0_lowered:
.L_overlay_start_1:
0x0: {  	(tag) =	ssettag $0x1  }
0x1: {  	s0 =	stileid.u32  }
0x2: {  	s1 =	smin.u32 s0, $0x9  }
0x3: {  	s1 =	sadd.s32 s0, s1  }
0x4: {  	s2 =	simm.s32 $0x320;
	p0 =	slt.u32 s0, $0x9;
	s1 =	smul.u32 $0x190, s1  }
0x5: {  	s2 =	simm.s32 @!p0 $0x190  }
0x6: {  	s2 =	sadd.s32 s2, s1  }
0x7: {  	s3 =	smin.u32 s2, $0x2710  }
0x8: {  	s7 =	ssub.s32 s3, s1  }
0x9: {  	p0 =	sgt.s32 s7, $0x0  }
0xa: {  	s7 =	simm.s32 @!p0 $0x0  }
0xb: {  	s31 =	sand.u32 $0xFFF0, s7  }
0xc: {  	s2 =	sshrl.u32 s31, $0x4  }
0xd: {  	s9 =	rddreg [dreg:$0x0];
	s2 =	smul.u32 $0xA3E, s2  }
0xe: {  	s4 =	rddreg [dreg:$0x1];
	s6 =	simm.s32 $0x1  }
0xf: {  	s11 =	simm.s32 $0x3;
	s13 =	simm.s32 $0x0;
	s8 =	sshrl.u32 s2, $0x10  }
0x10: {  	s12 =	simm.s32 $0x0;
	s5 =	sadd.s32 $0x4FA00, s9;
	s10 =	smul.u32 $0x190, s8  }
.Ltmp0:
0x11: {  	s9 =	sadd.s32 $0x76C00, s9;
	s2 =	rddreg [dreg:$0x2];
	(pc) =	sbr.rel .LBB2_1-.Ltmp0, $4  }
0x12: {  	_ =	strace $0x8000004A;
	p0 =	sne.s32 s7, s10;
	s10 =	simm.s32 $0x1  }
0x13: {  	[sflag:s6] =	ssyncpa.u1 $0x0;
	s7 =	simm.s32 $0x2;
	s10 =	simm.s32 @!p0 $0x0  }
0x14: {  	[sflag:s7] =	ssyncpa.u1 $0x0;
	p0 =	por $0x0, $0x0;
	s8 =	sadd.s32 s8, s10  }
0x15: {  	vm0 =	vmmov $0xff;
	vm1 =	vcmask $0x3F20;
	[sflag:s11] =	ssyncpa.u1 $0x0;
	s11 =	smov.u32 s1;
	s10 =	sadd.s32 $0x1, s8  }
.LBB2_6:
0x16: {  	[hbm:s17] =	stream.linear.scatter [tilespmem:s14], [sflag:$0x3], $0x400, $0x38;
	[tilespmem:$0x19320] =	vst v63  }
.LBB2_7:
0x17: {  	s13 =	sadd.s32 $0x190, s11  }
0x18: {  	s15 =	smov.u32 s1;
	p2 =	slt.s32 s13, s3  }
0x19: {  	s15 =	smov.u32 @p2 s13;
	p2 =	sne.s32 s12, s10  }
.Ltmp1:
0x1a: {  	p1 =	slt.u32 s12, $0x2;
	(pc) =	sbr.rel @!p2 .LBB2_8-.Ltmp1, $4  }
0x1b: {  	s14 =	simm.s32 @!p1 $0x3  }
0x1c: {  	s16 =	sadd.s32 $0x1, s12;
	_ =	swait.ge @!p1 [sflag:s14], $0xC800  }
0x1d: {  	p0 =	por !p0, !p0;
	s13 =	smov.u32 s11;
	[sflag:s14] =	ssyncset.done @!p1 $0x0  }
0x1e: {  	s12 =	smov.u32 s16;
	s11 =	smov.u32 s15;
	[sflag:s14] =	ssyncadd.s32 @!p1 $0xFFFF3800  }
.LBB2_1:
0x1f: {  	p1 =	sge.u32 s12, s8  }
0x20: {  	s14 =	sxor.u32 @!p1 $0xFFFFFFFF, s12  }
0x21: {  	s14 =	sand.u32 @!p1 $0x1, s14  }
0x22: {  	s14 =	smul.u32 @!p1 $0x640, s14  }
0x23: {  	s31 =	sadd.s32 $0xFFFFFFFF, s12;
	s15 =	sshrl.u32 @!p1 s11, $0x3  }
0x24: {  	s16 =	sand.u32 @!p1 $0x7, s11;
	s15 =	sadd.s32 @!p1 s4, s15;
	s14 =	sshrl.u32 @!p1 s14, $0x2  }
0x25: {  	[tilespmem:s14], [sflag:$0x2] =	stream.linear.gather @!p1 [hbm4b:s15+s16], $0x190, $0x38;
	[tilespmem:$0x19320] =	vst v63  }
0x26: {  	p1 =	sge.u32 s31, s8  }
.Ltmp2:
0x27: {  	_ = 	snop;
	(pc) =	sbr.rel @p1 .LBB2_7-.Ltmp2, $1  }
0x28: {  	_ =	sdelay $0x3  }
0x29: {  	s14 =	simm.s32 $0x1  }
0x2a: {  	s14 =	simm.s32 @!p0 $0x0  }
0x2b: {  	s15 =	smul.u32 $0x640, s14  }
0x2c: {  	_ =	swait.ge [sflag:s7], $0x190  }
0x2d: {  	[sflag:s7] =	ssyncset.done $0x0;
	s16 =	sshrl.u32 s15, $0x2  }
0x2e: {  	[sflag:s7] =	ssyncadd.s32 $0xFFFFFE70;
	s15 =	sadd.s32 $0x0, s16  }
0x2f: {  	v0 =	vld.msk [tilespmem:s15+$0x0 ss:$0x1], $0xffff;
	_ =	sdelay $0x4  }
0x30: {  	vm2 =	vgt.s32 v0, $0x0  }
0x31: {  	v0 =	vnsel vm2, $0x0, v0  }
0x32: {  	v0 =	vmin.u32 v0, $0x270F  }
0x33: {  	v0 =	vshll.u32 v0, $0x4  }
0x34: {  	s14 =	smul.u32 $0x32000, s14;
	_ =	sdelay $0x1  }
0x35: {  	s14 =	sshrl.u32 s14, $0x2  }
0x36: {  	s14 =	sor.u32 $0x320, s14  }
0x37: {  	[tilespmem:s14], [sflag:$0x1] =	stream.indirect_vreg.gather [hbm:s5], $0x80, v0, vm0, $0x38;
	[tilespmem:$0x19320] =	vst v63  }
0x38: {  	s17 =	sadd.s32 $0x10, s16;
	s15 =	sadd.s32 $0x400, s14  }
0x39: {  	[tilespmem:s15], [sflag:$0x1] =	stream.indirect_vreg.gather [hbm:s5], $0x80, v0, vm1, $0x38;
	[tilespmem:$0x19320] =	vst v63  }
0x3a: {  	s18 =	simm.s32 $0x80;
	v0 =	vld.msk [tilespmem:s17+$0x0 ss:$0x1], $0xffff;
	s17 =	smov.u32 s14  }
.LBB2_3:
0x3b: {  	p1 =	sne.s32 s18, $0x600;
	_ =	sdelay $0x4  }
0x3c: {  	vm2 =	vgt.s32 v0, $0x0  }
0x3d: {  	v0 =	vnsel vm2, $0x0, v0  }
0x3e: {  	v0 =	vmin.u32 v0, $0x270F  }
0x3f: {  	v0 =	vshll.u32 v0, $0x4;
	_ =	sdelay $0x3  }
.Ltmp3:
0x40: {  	s19 =	sshra.s32 s18, $0x2;
	s17 =	sadd.s32 $0x800, s17;
	(pc) =	sbr.rel @p1 .LBB2_3-.Ltmp3, $4  }
0x41: {  	[tilespmem:s17], [sflag:$0x1] =	stream.indirect_vreg.gather [hbm:s5], $0x80, v0, vm0, $0x38;
	[tilespmem:$0x19320] =	vst v63  }
0x42: {  	s19 =	sadd.s32 s19, s16;
	s20 =	sadd.s32 $0x400, s17  }
0x43: {  	[tilespmem:s20], [sflag:$0x1] =	stream.indirect_vreg.gather [hbm:s5], $0x80, v0, vm1, $0x38;
	[tilespmem:$0x19320] =	vst v63  }
0x44: {  	s18 =	sadd.s32 $0x40, s18;
	v0 =	vld.msk [tilespmem:s19+$0x0 ss:$0x1], $0xffff  }
0x45: {  	_ =	sdelay $0x3  }
0x46: {  	vm2 =	vgt.s32 v0, $0x0  }
0x47: {  	v0 =	vnsel vm2, $0x0, v0  }
0x48: {  	v0 =	vmin.u32 v0, $0x270F  }
0x49: {  	v0 =	vshll.u32 v0, $0x4;
	_ =	sdelay $0x3  }
0x4a: {  	s16 =	sadd.s32 $0x800, s17  }
0x4b: {  	[tilespmem:s16], [sflag:$0x1] =	stream.indirect_vreg.gather [hbm:s5], $0x80, v0, vm0, $0x38;
	[tilespmem:$0x19320] =	vst v63  }
0x4c: {  	s16 =	sadd.s32 $0x400, s16  }
0x4d: {  	[tilespmem:s16], [sflag:$0x1] =	stream.indirect_vreg.gather [hbm:s5], $0x80, v0, vm1, $0x38;
	[tilespmem:$0x19320] =	vst v63  }
0x4e: {  	s13 =	sshll.u32 s13, $0x4;
	_ =	swait.ge [sflag:s6], $0xC800  }
0x4f: {  	s13 =	sadd.s32 s13, s9;
	[sflag:s6] =	ssyncset.done $0x0  }
0x50: {  	s17 =	sadd.s32 $0x0, s13;
	s16 =	simm.s32 $0x80;
	[sflag:s6] =	ssyncadd.s32 $0xFFFF3800  }
.LBB2_5:
0x51: {  	[hbm:s17] =	stream.linear.scatter [tilespmem:s14], [sflag:$0x3], $0x400, $0x38;
	[tilespmem:$0x19320] =	vst v63  }
0x52: {  	s17 =	smov.u32 s16;
	s14 =	smov.u32 s15;
	p1 =	sne.s32 s16, $0x1880  }
.Ltmp4:
0x53: {  	s16 =	sadd.s32 $0x80, s16;
	(pc) =	sbr.rel @p1 .LBB2_5-.Ltmp4, $2  }
0x54: {  	_ =	sdelay $0x2  }
0x55: {  	s15 =	sadd.s32 $0x400, s15;
	s17 =	sadd.s32 s17, s13  }
.Ltmp5:
0x56: {  	_ = 	snop;
	(pc) =	sbr.rel .LBB2_6-.Ltmp5, $1  }
0x57: {  	_ =	sdelay $0x3  }
.LBB2_8:
0x58: {  	_ =	sfence.sel $0x180000  }
0x59: {  	s1 =	simm.s32 $0x2;
	[bflag:$0x0] =	sbarrier.arrive $0xFFFF  }
0x5a: {  	s30 =	simm.s32 $0x3;
	[sflag:s1] =	ssyncpa.u1 $0x1  }
0x5b: {  	s31 =	simm.s32 $0x1;
	[sflag:s30] =	ssyncpa.u1 $0x1  }
0x5c: {  	[sflag:s31] =	ssyncpa.u1 $0x1  }
0x5d: {  	p0 =	sne.s32 s0, $0x0;
	_ =	strace $0x9000004A  }
0x5e: {  	s0 =	sadd.s32 @!p0 $0x100000, s2;
	[bflag:$0x2] =	sbarrier.arrive $0xFFFF  }
0x5f: {  	[sflag:s0] =	ssyncadd.tile.s32 @!p0 $0x1;
	_ =	shalt  }
.Lfunc_end2:
_tile_overlayer_lowered:
.L_overlay_start_2:
0x60: {  	(tag) =	ssettag $0x2  }
0x61: {  	s0 =	rddreg [dreg:$0x0];
	s2 =	stileid.u32  }
0x62: {  	s1 =	rddreg [dreg:$0x1];
	p0 =	sne.s32 s2, $0x0  }
0x63: {  	s3 =	rddreg [dreg:$0x2];
	[bflag:$0x3] =	sbarrier.arrive $0xFFFF;
	s2 =	simm.s32 @!p0 $0x1C01  }
0x64: {  	[timem:s3], [sflag:s2] =	dma.local @!p0 [hbm:s0], s1  }
0x65: {  	s0 =	simm.s32 @!p0 $0x1  }
0x66: {  	_ =	swait.ge @!p0 [sflag:s0], s1  }
0x67: {  	s1 =	ssub.s32 @!p0 $0x0, s1;
	[sflag:s0] =	ssyncset.done @!p0 $0x0  }
0x68: {  	[sflag:s0] =	ssyncadd.s32 @!p0 s1  }
0x69: {  	[bflag:$0x3] =	sbarrier.arrive $0xFFFF  }
0x6a: {  	_ =	shalt  }

// kernel: gather_offload_async_start
scs
__scs_entry_jumppad:
0x0: {  	(pc) =	sbr.rel $0x88, $3  }
0x1: {  	(tag) =	ssettag $0x0;
	lr =	simm.s32 $0x1  }
0x2: {  	[smem:$0x3F9C] =	sst lr;
	_ =	strace $0xD0000000  }
0x3: {  	_ = 	snop  }
0x4: {  	_ = 	snop  }
0x5: {  	_ = 	snop  }
0x6: {  	_ = 	snop  }
0x7: {  	_ = 	snop  }
__scs_overlays_trampoline_lowered:
0x8: {  	[smem:$0x3FAB] =	sst s0  }
0x9: {  	[smem:$0x3FAC] =	sst s1  }
0xa: {  	[smem:$0x3FAD] =	sst s2  }
0xb: {  	[smem:$0x3FAE] =	sst s3  }
0xc: {  	[smem:$0x3FAF] =	sst s4  }
0xd: {  	[smem:$0x3FB0] =	sst s5  }
0xe: {  	[smem:$0x3FB1] =	sst s6  }
0xf: {  	[smem:$0x3FB2] =	sst s7  }
0x10: {  	[smem:$0x3FB3] =	sst s8  }
0x11: {  	[smem:$0x3FB4] =	sst s9;
	s0 =	simm.s32 @!p0 $0x0  }
0x12: {  	s1 =	sld [smem:$0x3F9A];
	s0 =	simm.s32 @p0 $0x1  }
0x13: {  	[smem:$0x3FB5] =	sst s0;
	s0 =	simm.s32 @!p1 $0x0  }
0x14: {  	s2 =	sld [smem:$0x3F99];
	s0 =	simm.s32 @p1 $0x1  }
0x15: {  	[smem:$0x3FB6] =	sst s0;
	s0 =	simm.s32 @!p2 $0x0  }
0x16: {  	s3 =	sld [smem:$0x3FDB];
	s0 =	simm.s32 @p2 $0x1  }
0x17: {  	s4 =	simm.s32 $0x1BF5;
	[smem:$0x3FB8] =	sst s0  }
0x18: {  	s0 =	sld [smem:$0x3F9B];
	_ =	swait.ge [sflag:s4], $0x0  }
0x19: {  	s7 =	sld [smem:$0x3F9C]  }
0x1a: {  	s8 =	sadd.s32 $0xFFFFE003, lr  }
0x1b: {  	s9 =	sadd.s32 $0xFFFFFEF7, lr;
	s5 =	simm.s32 $0xFFFFFFFF;
	p2 =	slt.u32 s8, $0xFFFFF086  }
0x1c: {  	p1 =	slt.u32 s9, $0xF7A;
	s5 =	simm.s32 @!p2 $0x0  }
0x1d: {  	s5 =	simm.s32 @p1 $0x1;
	p0 =	seq.s32 s7, s2  }
0x1e: {  	s7 =	smul.u32 @!p0 $0xF7A, s2;
	p2 =	seq.s32 @!p0 s5, $0x0  }
0x1f: {  	s9 =	smul.u32 $0xF7A, s1;
	s8 =	simm.s32 @!p0 $0x1BF5;
	p2 =	por !p2, p0  }
0x20: {  	[sflag:s8] =	ssyncset.s32 @!p0 $0xFFFFF086;
	s6 =	sadd.s32 @!p0 s3, s7;
	s7 =	simm.s32 @!p0 $0x108  }
0x21: {  	s3 =	sadd.s32 s3, s9;
	s6 =	sadd.s32 @!p0 $0x88, s6;
	s7 =	simm.s32 @p2 $0x1082  }
0x22: {  	[simem:s7], [sflag:s8] =	dma.local @!p0 [hbm:s6], $0xF7A  }
0x23: {  	s9 =	sor.u32 $0xD0000000, s2;
	s6 =	simm.s32 $0x108;
	_ =	swait.ge @!p0 [sflag:s8], $0x0  }
0x24: {  	s3 =	sadd.s32 $0x88, s3;
	s6 =	simm.s32 @!p1 $0x1082;
	[sflag:s4] =	ssyncset.s32 $0xFFFFF086  }
0x25: {  	[simem:s6], [sflag:s4] =	dma.local [hbm:s3], $0xF7A  }
0x26: {  	[smem:$0x3F9C] =	sst s1;
	(tag) =	ssettag s2;
	_ =	strace s9  }
0x27: {  	s1 =	sld [smem:$0x3FAC]  }
0x28: {  	s2 =	sld [smem:$0x3FAD]  }
0x29: {  	s4 =	sld [smem:$0x3FAF]  }
0x2a: {  	p0 =	seq.s32 s5, $0x0;
	s5 =	sld [smem:$0x3FB0]  }
0x2b: {  	s6 =	sld [smem:$0x3FB1]  }
0x2c: {  	s7 =	sld [smem:$0x3FB2]  }
0x2d: {  	s3 =	simm.s32 $0x108;
	s8 =	sld [smem:$0x3FB3]  }
0x2e: {  	s3 =	simm.s32 @!p0 $0x1082;
	s9 =	sld [smem:$0x3FB4]  }
0x2f: {  	lr =	sadd.s32 s0, s3;
	s0 =	sld [smem:$0x3FAB]  }
0x30: {  	s3 =	sld [smem:$0x3FAE]  }
0x31: {  	[smem:$0x3FB7] =	sst s10  }
0x32: {  	s10 =	sld [smem:$0x3FB5];
	_ =	sdelay $0x3  }
0x33: {  	p0 =	seq.s32 s10, $0x1;
	s10 =	sld [smem:$0x3FB7];
	_ =	sdelay $0x3  }
0x34: {  	[smem:$0x3FB7] =	sst s10  }
0x35: {  	s10 =	sld [smem:$0x3FB6];
	_ =	sdelay $0x3  }
0x36: {  	p1 =	seq.s32 s10, $0x1;
	s10 =	sld [smem:$0x3FB7];
	_ =	sdelay $0x3  }
0x37: {  	[smem:$0x3FB7] =	sst s10  }
0x38: {  	s10 =	sld [smem:$0x3FB8]  }
0x39: {  	_ = 	snop;
	(pc) =	sbr.ind lr, $3  }
0x3a: {  	_ = 	snop  }
0x3b: {  	_ = 	snop  }
0x3c: {  	p2 =	seq.s32 s10, $0x1;
	s10 =	sld [smem:$0x3FB7]  }
0x3d: {  	_ =	shalt  }
0x3e: {  	_ =	shalt  }
0x3f: {  	_ =	shalt  }
0x40: {  	_ =	shalt  }
0x41: {  	_ =	shalt  }
0x42: {  	_ =	shalt  }
0x43: {  	_ =	shalt  }
0x44: {  	_ =	shalt  }
0x45: {  	_ =	shalt  }
0x46: {  	_ =	shalt  }
0x47: {  	_ =	shalt  }
0x48: {  	_ =	shalt  }
0x49: {  	_ =	shalt  }
0x4a: {  	_ =	shalt  }
0x4b: {  	_ =	shalt  }
0x4c: {  	_ =	shalt  }
0x4d: {  	_ =	shalt  }
0x4e: {  	_ =	shalt  }
0x4f: {  	_ =	shalt  }
0x50: {  	_ =	shalt  }
0x51: {  	_ =	shalt  }
0x52: {  	_ =	shalt  }
0x53: {  	_ =	shalt  }
0x54: {  	_ =	shalt  }
0x55: {  	_ =	shalt  }
0x56: {  	_ =	shalt  }
0x57: {  	_ =	shalt  }
0x58: {  	_ =	shalt  }
0x59: {  	_ =	shalt  }
0x5a: {  	_ =	shalt  }
0x5b: {  	_ =	shalt  }
0x5c: {  	_ =	shalt  }
0x5d: {  	_ =	shalt  }
0x5e: {  	_ =	shalt  }
0x5f: {  	_ =	shalt  }
0x60: {  	_ =	shalt  }
0x61: {  	_ =	shalt  }
0x62: {  	_ =	shalt  }
0x63: {  	_ =	shalt  }
0x64: {  	_ =	shalt  }
0x65: {  	_ =	shalt  }
0x66: {  	_ =	shalt  }
0x67: {  	_ =	shalt  }
0x68: {  	_ =	shalt  }
0x69: {  	_ =	shalt  }
0x6a: {  	_ =	shalt  }
0x6b: {  	_ =	shalt  }
0x6c: {  	_ =	shalt  }
0x6d: {  	_ =	shalt  }
0x6e: {  	_ =	shalt  }
0x6f: {  	_ =	shalt  }
0x70: {  	_ =	shalt  }
0x71: {  	_ =	shalt  }
0x72: {  	_ =	shalt  }
0x73: {  	_ =	shalt  }
0x74: {  	_ =	shalt  }
0x75: {  	_ =	shalt  }
0x76: {  	_ =	shalt  }
0x77: {  	_ =	shalt  }
0x78: {  	_ =	shalt  }
0x79: {  	_ =	shalt  }
0x7a: {  	_ =	shalt  }
0x7b: {  	_ =	shalt  }
0x7c: {  	_ =	shalt  }
0x7d: {  	_ =	shalt  }
0x7e: {  	_ =	shalt  }
0x7f: {  	_ =	shalt  }
0x80: {  	_ =	shalt  }
0x81: {  	_ =	shalt  }
0x82: {  	_ =	shalt  }
0x83: {  	_ =	shalt  }
0x84: {  	_ =	shalt  }
0x85: {  	_ =	shalt  }
0x86: {  	_ =	shalt  }
0x87: {  	_ =	shalt  }
.Lfunc_end0:
.L_simem_size_0:
called_computation_lowered:
.L_overlay_start_0:
0x88: {  	s0 =	sld [smem:$0x3FD9]  }
0x89: {  	s1 =	sld [smem:$0x3FFE];
	_ =	sdelay $0x3  }
0x8a: {  	s0 =	sadd.s32 s1, s0  }
0x8b: {  	[smem:$0x3FC3] =	sst s0  }
0x8c: {  	_ = 	snop  }
0x8d: {  	s0 =	sld [smem:$0x3FD0];
	_ =	sdelay $0x2  }
0x8e: {  	s13 =	simm.s32 $0xB;
	s2 =	simm.s32 $0x10  }
0x8f: {  	[smem:s2], [sflag:s13] =	dma.local [hbm:s0], $0x1  }
0x90: {  	_ =	swait.eq [sflag:s13], $0x1  }
0x91: {  	[sflag:s13] =	ssyncset.done $0x0  }
0x92: {  	[sflag:s13] =	ssyncadd.s32 $0xFFFFFFFF  }
0x93: {  	s14 =	sld [smem:$0x11];
	(tm) =	ssettm $0x1  }
0x94: {  	s15 =	sld [smem:$0x3FFB];
	_ =	sdelay $0x3  }
0x95: {  	_ =	strace s15  }
0x96: {  	s1 =	sld [smem:$0x3FFC];
	_ =	sdelay $0x3  }
0x97: {  	_ =	strace s1  }
0x98: {  	s1 =	sld [smem:$0x3FFD];
	_ =	sdelay $0x3  }
0x99: {  	_ =	strace s1  }
0x9a: {  	_ =	strace $0x8FFFFFFF  }
0x9b: {  	s16 =	sld [smem:$0x3FDB];
	_ =	sdelay $0x1  }
0x9c: {  	s17 =	simm.s32 $_scs_section_size  }
0x9d: {  	s3 =	simm.s32 $_size__tile_overlayer_lowered;
	s4 =	simm.s32 $_tile_overlayer_lowered  }
0x9e: {  	s20 =	simm.s32 $0x1BFF;
	s19 =	sshll.u32 s4, $0x1;
	s1 =	sadd.s32 s17, s16  }
0x9f: {  	s5 =	simm.s32 $0x0;
	s18 =	sshll.u32 s3, $0x1;
	s3 =	sadd.s32 s19, s1  }
0xa0: {  	[timem:s5], [sflag:s20] =	dma.local [hbm:s3], s18  }
0xa1: {  	_ =	swait.ge [sflag:s20], s18  }
0xa2: {  	s2 =	ssub.s32 $0x0, s18;
	[sflag:s20] =	ssyncset.done $0x0  }
0xa3: {  	[sflag:s20] =	ssyncadd.s32 s2;
	_ =	sdelay $0x1  }
0xa4: {  	s21 =	simm.s32 $0x1B8B  }
0xa5: {  	_ =	swait.ge [sflag:s21], $0x1  }
0xa6: {  	[sflag:s21] =	ssyncset.done $0x0  }
0xa7: {  	s23 =	simm.s32 $0x1B8E;
	s22 =	sld [smem:$0x3FFE];
	[sflag:s21] =	ssyncadd.s32 $0xFFFFFFFF  }
0xa8: {  	s24 =	simm.s32 $execute0_lowered;
	[smem:$0x3FD2] =	sst s23  }
0xa9: {  	s3 =	sshll.u32 s24, $0x1;
	_ =	strace $0x80000046;
	[dreg:$0x1] =	wrdreg $0xFFFFFFFF  }
0xaa: {  	s25 =	simm.s32 $_size_execute0_lowered;
	s1 =	sadd.s32 s1, s3;
	[dreg:$0x0] =	wrdreg $0x0  }
0xab: {  	s3 =	sshll.u32 s25, $0x1;
	[dreg:$0x2] =	wrdreg s1  }
0xac: {  	[dreg:$0x3] =	wrdreg s3  }
0xad: {  	[dreg:$0x4] =	wrdreg $0xC0  }
0xae: {  	_ =	task [dreg:s5], $0x5FFFF  }
0xaf: {  	[dreg:$0x1] =	wrdreg $0xFFFFFFFF  }
0xb0: {  	[dreg:$0x0] =	wrdreg $0x60  }
0xb1: {  	[dreg:$0x2] =	wrdreg s22  }
0xb2: {  	[dreg:$0x3] =	wrdreg s14  }
0xb3: {  	[dreg:$0x4] =	wrdreg $0x9  }
0xb4: {  	_ =	task.clear_ibuf [dreg:s5], $0x5FFFF;
	_ =	strace $0x90000046  }
0xb5: {  	s26 =	simm.s32 $0x9;
	_ =	strace $0x80000048  }
0xb6: {  	_ =	swait.ge [sflag:s26], $0x1  }
0xb7: {  	[sflag:s26] =	ssyncadd.s32 $0xFFFFFFFF  }
0xb8: {  	_ =	strace $0x90000048  }
0xb9: {  	_ =	sfence  }
0xba: {  	s28 =	sld [smem:$0x0];
	_ =	sdelay $0x1  }
0xbb: {  	s29 =	srdreg.scid  }
0xbc: {  	s30 =	sshll.u32 s29, $0xD;
	s31 =	sshrl.u32 s29, $0x2  }
0xbd: {  	s2 =	sand.u32 $0x4000, s30;
	s1 =	sand.u32 $0x1, s29;
	s0 =	sadd.s32 s31, s28  }
0xbe: {  	s1 =	sor.u32 s2, s1;
	s0 =	sshll.u32 s0, $0x11  }
0xbf: {  	s0 =	sor.u32 s0, s1  }
0xc0: {  	s0 =	sadd.s32 $0x8F2B, s0  }
0xc1: {  	[sflag:s0] =	ssyncadd.remote.s32 $0x1  }
0xc2: {  	_ =	sfence.sel $0xFFFF  }
0xc3: {  	[dreg:$0x0] =	wrdreg $0xFFFFFFFF;
	(pc) =	sbr.abs _section_cstart, $3  }
0xc4: {  	[dreg:$0x1] =	wrdreg $0xFFFFFFFF  }
0xc5: {  	_ =	task.clear_ibuf [dreg:s5], $0x2FFFF;
	_ =	strace $0x9FFFFFFF  }
0xc6: {  	(tm) =	ssettm $0x7FFFFFFF  }
0xc7: {  	_ =	shalt  }
tec
execute0_lowered:
.L_overlay_start_1:
0x0: {  	(tag) =	ssettag $0x1  }
0x1: {  	s0 =	stileid.u32  }
0x2: {  	s1 =	smin.u32 s0, $0x9  }
0x3: {  	s1 =	sadd.s32 s0, s1  }
0x4: {  	s2 =	simm.s32 $0x320;
	p0 =	slt.u32 s0, $0x9;
	s1 =	smul.u32 $0x190, s1  }
0x5: {  	s2 =	simm.s32 @!p0 $0x190  }
0x6: {  	s2 =	sadd.s32 s2, s1  }
0x7: {  	s3 =	smin.u32 s2, $0x2710  }
0x8: {  	s7 =	ssub.s32 s3, s1  }
0x9: {  	p0 =	sgt.s32 s7, $0x0  }
0xa: {  	s7 =	simm.s32 @!p0 $0x0  }
0xb: {  	s31 =	sand.u32 $0xFFF0, s7  }
0xc: {  	s2 =	sshrl.u32 s31, $0x4  }
0xd: {  	s9 =	rddreg [dreg:$0x0];
	s2 =	smul.u32 $0xA3E, s2  }
0xe: {  	s4 =	rddreg [dreg:$0x1];
	s6 =	simm.s32 $0x1  }
0xf: {  	s11 =	simm.s32 $0x3;
	s13 =	simm.s32 $0x0;
	s8 =	sshrl.u32 s2, $0x10  }
0x10: {  	s12 =	simm.s32 $0x0;
	s5 =	sadd.s32 $0x1600, s9;
	s10 =	smul.u32 $0x190, s8  }
.Ltmp0:
0x11: {  	s9 =	sadd.s32 $0x28800, s9;
	s2 =	rddreg [dreg:$0x2];
	(pc) =	sbr.rel .LBB2_1-.Ltmp0, $4  }
0x12: {  	_ =	strace $0x80000047;
	p0 =	sne.s32 s7, s10;
	s10 =	simm.s32 $0x1  }
0x13: {  	[sflag:s6] =	ssyncpa.u1 $0x0;
	s7 =	simm.s32 $0x2;
	s10 =	simm.s32 @!p0 $0x0  }
0x14: {  	[sflag:s7] =	ssyncpa.u1 $0x0;
	p0 =	por $0x0, $0x0;
	s8 =	sadd.s32 s8, s10  }
0x15: {  	vm0 =	vmmov $0xff;
	vm1 =	vcmask $0x3F20;
	[sflag:s11] =	ssyncpa.u1 $0x0;
	s11 =	smov.u32 s1;
	s10 =	sadd.s32 $0x1, s8  }
.LBB2_6:
0x16: {  	[hbm:s17] =	stream.linear.scatter [tilespmem:s14], [sflag:$0x3], $0x400, $0x38;
	[tilespmem:$0x19320] =	vst v63  }
.LBB2_7:
0x17: {  	s13 =	sadd.s32 $0x190, s11  }
0x18: {  	s15 =	smov.u32 s1;
	p2 =	slt.s32 s13, s3  }
0x19: {  	s15 =	smov.u32 @p2 s13;
	p2 =	sne.s32 s12, s10  }
.Ltmp1:
0x1a: {  	p1 =	slt.u32 s12, $0x2;
	(pc) =	sbr.rel @!p2 .LBB2_8-.Ltmp1, $4  }
0x1b: {  	s14 =	simm.s32 @!p1 $0x3  }
0x1c: {  	s16 =	sadd.s32 $0x1, s12;
	_ =	swait.ge @!p1 [sflag:s14], $0xC800  }
0x1d: {  	p0 =	por !p0, !p0;
	s13 =	smov.u32 s11;
	[sflag:s14] =	ssyncset.done @!p1 $0x0  }
0x1e: {  	s12 =	smov.u32 s16;
	s11 =	smov.u32 s15;
	[sflag:s14] =	ssyncadd.s32 @!p1 $0xFFFF3800  }
.LBB2_1:
0x1f: {  	p1 =	sge.u32 s12, s8  }
0x20: {  	s14 =	sxor.u32 @!p1 $0xFFFFFFFF, s12  }
0x21: {  	s14 =	sand.u32 @!p1 $0x1, s14  }
0x22: {  	s14 =	smul.u32 @!p1 $0x640, s14  }
0x23: {  	s31 =	sadd.s32 $0xFFFFFFFF, s12;
	s15 =	sshrl.u32 @!p1 s11, $0x3  }
0x24: {  	s16 =	sand.u32 @!p1 $0x7, s11;
	s15 =	sadd.s32 @!p1 s4, s15;
	s14 =	sshrl.u32 @!p1 s14, $0x2  }
0x25: {  	[tilespmem:s14], [sflag:$0x2] =	stream.linear.gather @!p1 [hbm4b:s15+s16], $0x190, $0x38;
	[tilespmem:$0x19320] =	vst v63  }
0x26: {  	p1 =	sge.u32 s31, s8  }
.Ltmp2:
0x27: {  	_ = 	snop;
	(pc) =	sbr.rel @p1 .LBB2_7-.Ltmp2, $1  }
0x28: {  	_ =	sdelay $0x3  }
0x29: {  	s14 =	simm.s32 $0x1  }
0x2a: {  	s14 =	simm.s32 @!p0 $0x0  }
0x2b: {  	s15 =	smul.u32 $0x640, s14  }
0x2c: {  	_ =	swait.ge [sflag:s7], $0x190  }
0x2d: {  	[sflag:s7] =	ssyncset.done $0x0;
	s16 =	sshrl.u32 s15, $0x2  }
0x2e: {  	[sflag:s7] =	ssyncadd.s32 $0xFFFFFE70;
	s15 =	sadd.s32 $0x0, s16  }
0x2f: {  	v0 =	vld.msk [tilespmem:s15+$0x0 ss:$0x1], $0xffff;
	_ =	sdelay $0x4  }
0x30: {  	vm2 =	vgt.s32 v0, $0x0  }
0x31: {  	v0 =	vnsel vm2, $0x0, v0  }
0x32: {  	v0 =	vmin.u32 v0, $0x270F  }
0x33: {  	v0 =	vshll.u32 v0, $0x4  }
0x34: {  	s14 =	smul.u32 $0x32000, s14;
	_ =	sdelay $0x1  }
0x35: {  	s14 =	sshrl.u32 s14, $0x2  }
0x36: {  	s14 =	sor.u32 $0x320, s14  }
0x37: {  	[tilespmem:s14], [sflag:$0x1] =	stream.indirect_vreg.gather [hbm:s5], $0x80, v0, vm0, $0x38;
	[tilespmem:$0x19320] =	vst v63  }
0x38: {  	s17 =	sadd.s32 $0x10, s16;
	s15 =	sadd.s32 $0x400, s14  }
0x39: {  	[tilespmem:s15], [sflag:$0x1] =	stream.indirect_vreg.gather [hbm:s5], $0x80, v0, vm1, $0x38;
	[tilespmem:$0x19320] =	vst v63  }
0x3a: {  	s18 =	simm.s32 $0x80;
	v0 =	vld.msk [tilespmem:s17+$0x0 ss:$0x1], $0xffff;
	s17 =	smov.u32 s14  }
.LBB2_3:
0x3b: {  	p1 =	sne.s32 s18, $0x600;
	_ =	sdelay $0x4  }
0x3c: {  	vm2 =	vgt.s32 v0, $0x0  }
0x3d: {  	v0 =	vnsel vm2, $0x0, v0  }
0x3e: {  	v0 =	vmin.u32 v0, $0x270F  }
0x3f: {  	v0 =	vshll.u32 v0, $0x4;
	_ =	sdelay $0x3  }
.Ltmp3:
0x40: {  	s19 =	sshra.s32 s18, $0x2;
	s17 =	sadd.s32 $0x800, s17;
	(pc) =	sbr.rel @p1 .LBB2_3-.Ltmp3, $4  }
0x41: {  	[tilespmem:s17], [sflag:$0x1] =	stream.indirect_vreg.gather [hbm:s5], $0x80, v0, vm0, $0x38;
	[tilespmem:$0x19320] =	vst v63  }
0x42: {  	s19 =	sadd.s32 s19, s16;
	s20 =	sadd.s32 $0x400, s17  }
0x43: {  	[tilespmem:s20], [sflag:$0x1] =	stream.indirect_vreg.gather [hbm:s5], $0x80, v0, vm1, $0x38;
	[tilespmem:$0x19320] =	vst v63  }
0x44: {  	s18 =	sadd.s32 $0x40, s18;
	v0 =	vld.msk [tilespmem:s19+$0x0 ss:$0x1], $0xffff  }
0x45: {  	_ =	sdelay $0x3  }
0x46: {  	vm2 =	vgt.s32 v0, $0x0  }
0x47: {  	v0 =	vnsel vm2, $0x0, v0  }
0x48: {  	v0 =	vmin.u32 v0, $0x270F  }
0x49: {  	v0 =	vshll.u32 v0, $0x4;
	_ =	sdelay $0x3  }
0x4a: {  	s16 =	sadd.s32 $0x800, s17  }
0x4b: {  	[tilespmem:s16], [sflag:$0x1] =	stream.indirect_vreg.gather [hbm:s5], $0x80, v0, vm0, $0x38;
	[tilespmem:$0x19320] =	vst v63  }
0x4c: {  	s16 =	sadd.s32 $0x400, s16  }
0x4d: {  	[tilespmem:s16], [sflag:$0x1] =	stream.indirect_vreg.gather [hbm:s5], $0x80, v0, vm1, $0x38;
	[tilespmem:$0x19320] =	vst v63  }
0x4e: {  	s13 =	sshll.u32 s13, $0x4;
	_ =	swait.ge [sflag:s6], $0xC800  }
0x4f: {  	s13 =	sadd.s32 s13, s9;
	[sflag:s6] =	ssyncset.done $0x0  }
0x50: {  	s17 =	sadd.s32 $0x0, s13;
	s16 =	simm.s32 $0x80;
	[sflag:s6] =	ssyncadd.s32 $0xFFFF3800  }
.LBB2_5:
0x51: {  	[hbm:s17] =	stream.linear.scatter [tilespmem:s14], [sflag:$0x3], $0x400, $0x38;
	[tilespmem:$0x19320] =	vst v63  }
0x52: {  	s17 =	smov.u32 s16;
	s14 =	smov.u32 s15;
	p1 =	sne.s32 s16, $0x1880  }
.Ltmp4:
0x53: {  	s16 =	sadd.s32 $0x80, s16;
	(pc) =	sbr.rel @p1 .LBB2_5-.Ltmp4, $2  }
0x54: {  	_ =	sdelay $0x2  }
0x55: {  	s15 =	sadd.s32 $0x400, s15;
	s17 =	sadd.s32 s17, s13  }
.Ltmp5:
0x56: {  	_ = 	snop;
	(pc) =	sbr.rel .LBB2_6-.Ltmp5, $1  }
0x57: {  	_ =	sdelay $0x3  }
.LBB2_8:
0x58: {  	_ =	sfence.sel $0x180000  }
0x59: {  	s1 =	simm.s32 $0x2;
	[bflag:$0x0] =	sbarrier.arrive $0xFFFF  }
0x5a: {  	s30 =	simm.s32 $0x3;
	[sflag:s1] =	ssyncpa.u1 $0x1  }
0x5b: {  	s31 =	simm.s32 $0x1;
	[sflag:s30] =	ssyncpa.u1 $0x1  }
0x5c: {  	[sflag:s31] =	ssyncpa.u1 $0x1  }
0x5d: {  	p0 =	sne.s32 s0, $0x0;
	_ =	strace $0x90000047  }
0x5e: {  	s0 =	sadd.s32 @!p0 $0x100000, s2;
	[bflag:$0x2] =	sbarrier.arrive $0xFFFF  }
0x5f: {  	[sflag:s0] =	ssyncadd.tile.s32 @!p0 $0x1;
	_ =	shalt  }
.Lfunc_end2:
_tile_overlayer_lowered:
.L_overlay_start_2:
0x60: {  	(tag) =	ssettag $0x2  }
0x61: {  	s0 =	rddreg [dreg:$0x0];
	s2 =	stileid.u32  }
0x62: {  	s1 =	rddreg [dreg:$0x1];
	p0 =	sne.s32 s2, $0x0  }
0x63: {  	s3 =	rddreg [dreg:$0x2];
	[bflag:$0x3] =	sbarrier.arrive $0xFFFF;
	s2 =	simm.s32 @!p0 $0x1C01  }
0x64: {  	[timem:s3], [sflag:s2] =	dma.local @!p0 [hbm:s0], s1  }
0x65: {  	s0 =	simm.s32 @!p0 $0x1  }
0x66: {  	_ =	swait.ge @!p0 [sflag:s0], s1  }
0x67: {  	s1 =	ssub.s32 @!p0 $0x0, s1;
	[sflag:s0] =	ssyncset.done @!p0 $0x0  }
0x68: {  	[sflag:s0] =	ssyncadd.s32 @!p0 s1  }
0x69: {  	[bflag:$0x3] =	sbarrier.arrive $0xFFFF  }
0x6a: {  	_ =	shalt  }

</sc_bundles>
